<compile_context>
chip_gen: v7x
topology: tpu7x:2x2x1
jax: 0.10.2.dev20260603
libtpu: 0.0.44.dev20260713+nightly
codegen_flags: <defaults>
</compile_context>

<pallas_src>
import functools

import jax
import jax.numpy as jnp
from jax import lax
from jax.experimental import pallas as pl
from jax.experimental.pallas import tpu as pltpu
from jax.experimental.pallas import tpu_sc as plsc

D = 64
DP = 128
NC = 2
NS = 16
NW = NC * NS
CI = 1024
CG = 128
NSUB = CI // CG
NB = 4


def _make_sc_gather(B: int):
    b_per_w = B // NW
    nchunk = b_per_w // CI
    assert B % NW == 0 and b_per_w % CI == 0 and nchunk >= 3 and nchunk % 2 == 1
    mesh = plsc.VectorSubcoreMesh(core_axis_name="c", subcore_axis_name="s")

    @functools.partial(
        pl.kernel,
        out_type=jax.ShapeDtypeStruct((B, DP), jnp.float32),
        mesh=mesh,
        scratch_types=(
            [pltpu.VMEM((CI,), jnp.int32) for _ in range(2)]
            + [pltpu.VMEM((CG, DP), jnp.float32) for _ in range(NB)]
            + [pltpu.SemaphoreType.DMA] * (2 + 2 * NB)
        ),
        compiler_params=pltpu.CompilerParams(use_tc_tiling_on_sc=True),
    )
    def sc_gather(table_hbm, tok_hbm, out_hbm, idx0, idx1, *rest):
        idxs = (idx0, idx1)
        rows = rest[0:NB]
        si = rest[NB:NB + 2]
        sg = rest[NB + 2:2 * NB + 2]
        ss = rest[2 * NB + 2:3 * NB + 2]
        wid = lax.axis_index("s") * NC + lax.axis_index("c")
        wbase = pl.multiple_of(wid * b_per_w, CI)

        def idx_desc(c, p):
            base = pl.multiple_of(wbase + c * CI, CI)
            return pltpu.make_async_copy(
                tok_hbm.at[pl.ds(base, CI)], idxs[p], si[p])

        def gather_desc(k, p):
            return pltpu.make_async_copy(
                table_hbm.at[idxs[p].at[pl.ds(k * CG, CG)]],
                rows[k % NB], sg[k % NB])

        def scatter_desc(c, k):
            base = pl.multiple_of(wbase + c * CI + k * CG, 8)
            return pltpu.make_async_copy(
                rows[k % NB], out_hbm.at[pl.ds(base, CG)], ss[k % NB])

        def chunk_body(c, p, first):
            for k in range(NSUB):
                if first and k < NB:
                    pass
                else:
                    scatter_desc(*((c, k - NB) if k >= NB else
                                   (c - 1, k - NB + NSUB))).wait()
                if k == 0:
                    idx_desc(c, p).wait()
                gather_desc(k, p).start()
                if first and k < 2:
                    continue
                if k >= 2:
                    gather_desc(k - 2, p).wait()
                    scatter_desc(c, k - 2).start()
                else:
                    gather_desc(k - 2 + NSUB, 1 - p).wait()
                    scatter_desc(c - 1, k - 2 + NSUB).start()
                if k == 1:
                    c_next = jnp.minimum(c + 1, nchunk - 1)
                    idx_desc(c_next, 1 - p).start()

        idx_desc(0, 0).start()
        idx_desc(1, 1).start()
        chunk_body(0, 0, True)

        @pl.loop(1, nchunk, step=2)
        def _(c0):
            chunk_body(c0, 1, False)
            chunk_body(c0 + 1, 0, False)

        cl = nchunk - 1
        pl_ = (nchunk - 1) % 2
        gather_desc(NSUB - 2, pl_).wait()
        scatter_desc(cl, NSUB - 2).start()
        gather_desc(NSUB - 1, pl_).wait()
        scatter_desc(cl, NSUB - 1).start()
        for k in range(NSUB - NB, NSUB):
            scatter_desc(cl, k).wait()
        idx_desc(cl, nchunk % 2).wait()

    return sc_gather


def kernel(tokens, embed_weight):
    S, T = tokens.shape
    B = S * T
    table128 = jnp.pad(embed_weight, ((0, 0), (0, DP - D)))
    flat = tokens.reshape(B)
    out = _make_sc_gather(B)(table128, flat)
    return out[:, :D].reshape(S, T, D)

# --- scband reference (transcript-rebuilt; emitter-appended) ---
"""Pipeline reference for scband-decoder-18760417149599 (READ-ONLY COPY).

The authoritative reference and input builder live on the scoring server;
editing this copy changes nothing except your own understanding.
"""

import jax, jax.numpy as jnp
import numpy as np

VOCAB = 1000000
EMBED_DIM = 64
PAD_IDX = 0


def setup_inputs(seed: int = 0) -> dict:
    key = jax.random.key(seed)
    k_tok, k_w = jax.random.split(key)
    tokens = jax.random.randint(k_tok, (4096, 200), 0, VOCAB, dtype=jnp.int32)
    # Embedding table initialized like nn.init.normal_(std = embed_dim ** -0.5),
    # with the padding row zeroed (matches the torch __init__).
    embed_weight = jax.random.normal(k_w, (VOCAB, EMBED_DIM), dtype=jnp.float32) * (EMBED_DIM ** -0.5)
    embed_weight = embed_weight.at[PAD_IDX].set(0.0)
    return {"tokens": tokens, "embed_weight": embed_weight}


def reference(tokens, embed_weight):
    # Decoder token embedding: nn.Embedding lookup (gather rows of the table).
    x = jnp.take(embed_weight, tokens, axis=0)
    # dropout p=0.0 -> identity in eval/inference
    return x

if __name__ == "__main__":
    import jax
    _d = setup_inputs()
    print(jax.jit(kernel)(*tuple(_d.values())))

</pallas_src>

<mosaic_0001>
#map = affine_map<(d0, d1) -> (0, 0)>
#map1 = affine_map<(d0, d1) -> (0)>
module attributes {stable_mosaic.version = 14 : i64} {
  func.func @sc_gather(%arg0: i32, %arg1: i32, %arg2: memref<1000000x128xf32, #tpu.memory_space<hbm>>, %arg3: memref<819200xi32, #tpu.memory_space<hbm>>, %arg4: memref<819200x128xf32, #tpu.memory_space<hbm>>, %arg5: memref<1024xi32, #tpu.memory_space<vmem>>, %arg6: memref<1024xi32, #tpu.memory_space<vmem>>, %arg7: memref<128x128xf32, #tpu.memory_space<vmem>>, %arg8: memref<128x128xf32, #tpu.memory_space<vmem>>, %arg9: memref<128x128xf32, #tpu.memory_space<vmem>>, %arg10: memref<128x128xf32, #tpu.memory_space<vmem>>, %arg11: memref<!tpu.dma_semaphore, #tpu.memory_space<semaphore_mem>>, %arg12: memref<!tpu.dma_semaphore, #tpu.memory_space<semaphore_mem>>, %arg13: memref<!tpu.dma_semaphore, #tpu.memory_space<semaphore_mem>>, %arg14: memref<!tpu.dma_semaphore, #tpu.memory_space<semaphore_mem>>, %arg15: memref<!tpu.dma_semaphore, #tpu.memory_space<semaphore_mem>>, %arg16: memref<!tpu.dma_semaphore, #tpu.memory_space<semaphore_mem>>, %arg17: memref<!tpu.dma_semaphore, #tpu.memory_space<semaphore_mem>>, %arg18: memref<!tpu.dma_semaphore, #tpu.memory_space<semaphore_mem>>, %arg19: memref<!tpu.dma_semaphore, #tpu.memory_space<semaphore_mem>>, %arg20: memref<!tpu.dma_semaphore, #tpu.memory_space<semaphore_mem>>) attributes {dimension_semantics = [#tpu.dimension_semantics<core_parallel>, #tpu.dimension_semantics<subcore_parallel>], iteration_bounds = array<i64: 2, 16>, scalar_prefetch = 0 : i64, scratch_operands = 16 : i64, tpu.core_type = #tpu.core_type<sc_vector_subcore>, window_params = [{transform_indices = #map}, {transform_indices = #map1}, {transform_indices = #map}]} {
    %mul3A = arith.constant 2 : i32
    %mul3A_0 = arith.muli %arg1, %mul3A : i32
    %add3A = arith.addi %mul3A_0, %arg0 : i32
    %mul3A_1 = arith.constant 25600 : i32
    %mul3A_2 = arith.muli %add3A, %mul3A_1 : i32
    %multiple_of3A = tpu.assume_multiple %mul3A_2, 1024 : i32
    %add3A_3 = arith.constant 0 : i32
    %add3A_4 = arith.addi %multiple_of3A, %add3A_3 : i32
    %multiple_of3A_5 = tpu.assume_multiple %add3A_4, 1024 : i32
    %dma_start3A = tpu.memref_slice %arg3[%multiple_of3A_5] : memref<819200xi32, #tpu.memory_space<hbm>> -> memref<1024xi32, #tpu.memory_space<hbm>>
    %dma_start3A_6 = tpu.memref_slice %arg3[%multiple_of3A_5] : memref<819200xi32, #tpu.memory_space<hbm>> -> memref<1024xi32, #tpu.memory_space<hbm>>
    tpu.enqueue_dma source(%dma_start3A_6 : memref<1024xi32, #tpu.memory_space<hbm>>) target(%arg5 : memref<1024xi32, #tpu.memory_space<vmem>>) target_semaphore(%arg11 : memref<!tpu.dma_semaphore, #tpu.memory_space<semaphore_mem>>)
    %add3A_7 = arith.constant 1024 : i32
    %add3A_8 = arith.addi %multiple_of3A, %add3A_7 : i32
    %multiple_of3A_9 = tpu.assume_multiple %add3A_8, 1024 : i32
    %dma_start3A_10 = tpu.memref_slice %arg3[%multiple_of3A_9] : memref<819200xi32, #tpu.memory_space<hbm>> -> memref<1024xi32, #tpu.memory_space<hbm>>
    %dma_start3A_11 = tpu.memref_slice %arg3[%multiple_of3A_9] : memref<819200xi32, #tpu.memory_space<hbm>> -> memref<1024xi32, #tpu.memory_space<hbm>>
    tpu.enqueue_dma source(%dma_start3A_11 : memref<1024xi32, #tpu.memory_space<hbm>>) target(%arg6 : memref<1024xi32, #tpu.memory_space<vmem>>) target_semaphore(%arg12 : memref<!tpu.dma_semaphore, #tpu.memory_space<semaphore_mem>>)
    %add3A_12 = arith.constant 0 : i32
    %add3A_13 = arith.addi %multiple_of3A, %add3A_12 : i32
    %multiple_of3A_14 = tpu.assume_multiple %add3A_13, 1024 : i32
    %dma_wait3A = tpu.memref_slice %arg3[%multiple_of3A_14] : memref<819200xi32, #tpu.memory_space<hbm>> -> memref<1024xi32, #tpu.memory_space<hbm>>
    %dma_wait3A_15 = tpu.memref_slice %arg3[%multiple_of3A_14] : memref<819200xi32, #tpu.memory_space<hbm>> -> memref<1024xi32, #tpu.memory_space<hbm>>
    tpu.wait_dma2 semaphore(%arg11 : memref<!tpu.dma_semaphore, #tpu.memory_space<semaphore_mem>>) src(%dma_wait3A_15 : memref<1024xi32, #tpu.memory_space<hbm>>) dst(%arg5 : memref<1024xi32, #tpu.memory_space<vmem>>)
    %dma_start3A_16 = arith.constant 0 : i32
    %dma_start3A_17 = tpu.memref_slice %arg5[%dma_start3A_16] : memref<1024xi32, #tpu.memory_space<vmem>> -> memref<128xi32, #tpu.memory_space<vmem>>
    %dma_start3A_18 = arith.constant 0 : i32
    %dma_start3A_19 = arith.constant 0 : i32
    %dma_start3A_20 = tpu.memref_slice %arg2[%dma_start3A_18, %dma_start3A_19] : memref<1000000x128xf32, #tpu.memory_space<hbm>> -> memref<1000000x128xf32, #tpu.memory_space<hbm>>
    tpu.enqueue_indirect_dma source(%dma_start3A_20 : memref<1000000x128xf32, #tpu.memory_space<hbm>>) target(%arg7 : memref<128x128xf32, #tpu.memory_space<vmem>>) offsets(%dma_start3A_17 : memref<128xi32, #tpu.memory_space<vmem>>) semaphore(%arg13 : memref<!tpu.dma_semaphore, #tpu.memory_space<semaphore_mem>>)
    %dma_start3A_21 = arith.constant 128 : i32
    %dma_start3A_22 = tpu.memref_slice %arg5[%dma_start3A_21] : memref<1024xi32, #tpu.memory_space<vmem>> -> memref<128xi32, #tpu.memory_space<vmem>>
    %dma_start3A_23 = arith.constant 0 : i32
    %dma_start3A_24 = arith.constant 0 : i32
    %dma_start3A_25 = tpu.memref_slice %arg2[%dma_start3A_23, %dma_start3A_24] : memref<1000000x128xf32, #tpu.memory_space<hbm>> -> memref<1000000x128xf32, #tpu.memory_space<hbm>>
    tpu.enqueue_indirect_dma source(%dma_start3A_25 : memref<1000000x128xf32, #tpu.memory_space<hbm>>) target(%arg8 : memref<128x128xf32, #tpu.memory_space<vmem>>) offsets(%dma_start3A_22 : memref<128xi32, #tpu.memory_space<vmem>>) semaphore(%arg14 : memref<!tpu.dma_semaphore, #tpu.memory_space<semaphore_mem>>)
    %dma_start3A_26 = arith.constant 256 : i32
    %dma_start3A_27 = tpu.memref_slice %arg5[%dma_start3A_26] : memref<1024xi32, #tpu.memory_space<vmem>> -> memref<128xi32, #tpu.memory_space<vmem>>
    %dma_start3A_28 = arith.constant 0 : i32
    %dma_start3A_29 = arith.constant 0 : i32
    %dma_start3A_30 = tpu.memref_slice %arg2[%dma_start3A_28, %dma_start3A_29] : memref<1000000x128xf32, #tpu.memory_space<hbm>> -> memref<1000000x128xf32, #tpu.memory_space<hbm>>
    tpu.enqueue_indirect_dma source(%dma_start3A_30 : memref<1000000x128xf32, #tpu.memory_space<hbm>>) target(%arg9 : memref<128x128xf32, #tpu.memory_space<vmem>>) offsets(%dma_start3A_27 : memref<128xi32, #tpu.memory_space<vmem>>) semaphore(%arg15 : memref<!tpu.dma_semaphore, #tpu.memory_space<semaphore_mem>>)
    %dma_wait3A_31 = arith.constant 0 : i32
    %dma_wait3A_32 = tpu.memref_slice %arg5[%dma_wait3A_31] : memref<1024xi32, #tpu.memory_space<vmem>> -> memref<128xi32, #tpu.memory_space<vmem>>
    %dma_wait3A_33 = arith.constant 0 : i32
    %dma_wait3A_34 = arith.constant 0 : i32
    %dma_wait3A_35 = tpu.memref_slice %arg2[%dma_wait3A_33, %dma_wait3A_34] : memref<1000000x128xf32, #tpu.memory_space<hbm>> -> memref<1000000x128xf32, #tpu.memory_space<hbm>>
    tpu.wait_indirect_dma semaphore(%arg13 : memref<!tpu.dma_semaphore, #tpu.memory_space<semaphore_mem>>) src(%dma_wait3A_35 : memref<1000000x128xf32, #tpu.memory_space<hbm>>) dst(%arg7 : memref<128x128xf32, #tpu.memory_space<vmem>>)
    %add3A_36 = arith.constant 0 : i32
    %add3A_37 = arith.addi %multiple_of3A, %add3A_36 : i32
    %add3A_38 = arith.constant 0 : i32
    %add3A_39 = arith.addi %add3A_37, %add3A_38 : i32
    %multiple_of3A_40 = tpu.assume_multiple %add3A_39, 8 : i32
    %dma_start3A_41 = arith.constant 0 : i32
    %dma_start3A_42 = tpu.memref_slice %arg4[%multiple_of3A_40, %dma_start3A_41] : memref<819200x128xf32, #tpu.memory_space<hbm>> -> memref<128x128xf32, #tpu.memory_space<hbm>>
    %dma_start3A_43 = arith.constant 0 : i32
    %dma_start3A_44 = tpu.memref_slice %arg4[%multiple_of3A_40, %dma_start3A_43] : memref<819200x128xf32, #tpu.memory_space<hbm>> -> memref<128x128xf32, #tpu.memory_space<hbm>>
    tpu.enqueue_dma source(%arg7 : memref<128x128xf32, #tpu.memory_space<vmem>>) target(%dma_start3A_44 : memref<128x128xf32, #tpu.memory_space<hbm>>) target_semaphore(%arg17 : memref<!tpu.dma_semaphore, #tpu.memory_space<semaphore_mem>>)
    %dma_start3A_45 = arith.constant 384 : i32
    %dma_start3A_46 = tpu.memref_slice %arg5[%dma_start3A_45] : memref<1024xi32, #tpu.memory_space<vmem>> -> memref<128xi32, #tpu.memory_space<vmem>>
    %dma_start3A_47 = arith.constant 0 : i32
    %dma_start3A_48 = arith.constant 0 : i32
    %dma_start3A_49 = tpu.memref_slice %arg2[%dma_start3A_47, %dma_start3A_48] : memref<1000000x128xf32, #tpu.memory_space<hbm>> -> memref<1000000x128xf32, #tpu.memory_space<hbm>>
    tpu.enqueue_indirect_dma source(%dma_start3A_49 : memref<1000000x128xf32, #tpu.memory_space<hbm>>) target(%arg10 : memref<128x128xf32, #tpu.memory_space<vmem>>) offsets(%dma_start3A_46 : memref<128xi32, #tpu.memory_space<vmem>>) semaphore(%arg16 : memref<!tpu.dma_semaphore, #tpu.memory_space<semaphore_mem>>)
    %dma_wait3A_50 = arith.constant 128 : i32
    %dma_wait3A_51 = tpu.memref_slice %arg5[%dma_wait3A_50] : memref<1024xi32, #tpu.memory_space<vmem>> -> memref<128xi32, #tpu.memory_space<vmem>>
    %dma_wait3A_52 = arith.constant 0 : i32
    %dma_wait3A_53 = arith.constant 0 : i32
    %dma_wait3A_54 = tpu.memref_slice %arg2[%dma_wait3A_52, %dma_wait3A_53] : memref<1000000x128xf32, #tpu.memory_space<hbm>> -> memref<1000000x128xf32, #tpu.memory_space<hbm>>
    tpu.wait_indirect_dma semaphore(%arg14 : memref<!tpu.dma_semaphore, #tpu.memory_space<semaphore_mem>>) src(%dma_wait3A_54 : memref<1000000x128xf32, #tpu.memory_space<hbm>>) dst(%arg8 : memref<128x128xf32, #tpu.memory_space<vmem>>)
    %add3A_55 = arith.constant 0 : i32
    %add3A_56 = arith.addi %multiple_of3A, %add3A_55 : i32
    %add3A_57 = arith.constant 128 : i32
    %add3A_58 = arith.addi %add3A_56, %add3A_57 : i32
    %multiple_of3A_59 = tpu.assume_multiple %add3A_58, 8 : i32
    %dma_start3A_60 = arith.constant 0 : i32
    %dma_start3A_61 = tpu.memref_slice %arg4[%multiple_of3A_59, %dma_start3A_60] : memref<819200x128xf32, #tpu.memory_space<hbm>> -> memref<128x128xf32, #tpu.memory_space<hbm>>
    %dma_start3A_62 = arith.constant 0 : i32
    %dma_start3A_63 = tpu.memref_slice %arg4[%multiple_of3A_59, %dma_start3A_62] : memref<819200x128xf32, #tpu.memory_space<hbm>> -> memref<128x128xf32, #tpu.memory_space<hbm>>
    tpu.enqueue_dma source(%arg8 : memref<128x128xf32, #tpu.memory_space<vmem>>) target(%dma_start3A_63 : memref<128x128xf32, #tpu.memory_space<hbm>>) target_semaphore(%arg18 : memref<!tpu.dma_semaphore, #tpu.memory_space<semaphore_mem>>)
    %add3A_64 = arith.constant 0 : i32
    %add3A_65 = arith.addi %multiple_of3A, %add3A_64 : i32
    %add3A_66 = arith.constant 0 : i32
    %add3A_67 = arith.addi %add3A_65, %add3A_66 : i32
    %multiple_of3A_68 = tpu.assume_multiple %add3A_67, 8 : i32
    %dma_wait3A_69 = arith.constant 0 : i32
    %dma_wait3A_70 = tpu.memref_slice %arg4[%multiple_of3A_68, %dma_wait3A_69] : memref<819200x128xf32, #tpu.memory_space<hbm>> -> memref<128x128xf32, #tpu.memory_space<hbm>>
    %dma_wait3A_71 = arith.constant 0 : i32
    %dma_wait3A_72 = tpu.memref_slice %arg4[%multiple_of3A_68, %dma_wait3A_71] : memref<819200x128xf32, #tpu.memory_space<hbm>> -> memref<128x128xf32, #tpu.memory_space<hbm>>
    tpu.wait_dma2 semaphore(%arg17 : memref<!tpu.dma_semaphore, #tpu.memory_space<semaphore_mem>>) src(%arg7 : memref<128x128xf32, #tpu.memory_space<vmem>>) dst(%dma_wait3A_72 : memref<128x128xf32, #tpu.memory_space<hbm>>)
    %dma_start3A_73 = arith.constant 512 : i32
    %dma_start3A_74 = tpu.memref_slice %arg5[%dma_start3A_73] : memref<1024xi32, #tpu.memory_space<vmem>> -> memref<128xi32, #tpu.memory_space<vmem>>
    %dma_start3A_75 = arith.constant 0 : i32
    %dma_start3A_76 = arith.constant 0 : i32
    %dma_start3A_77 = tpu.memref_slice %arg2[%dma_start3A_75, %dma_start3A_76] : memref<1000000x128xf32, #tpu.memory_space<hbm>> -> memref<1000000x128xf32, #tpu.memory_space<hbm>>
    tpu.enqueue_indirect_dma source(%dma_start3A_77 : memref<1000000x128xf32, #tpu.memory_space<hbm>>) target(%arg7 : memref<128x128xf32, #tpu.memory_space<vmem>>) offsets(%dma_start3A_74 : memref<128xi32, #tpu.memory_space<vmem>>) semaphore(%arg13 : memref<!tpu.dma_semaphore, #tpu.memory_space<semaphore_mem>>)
    %dma_wait3A_78 = arith.constant 256 : i32
    %dma_wait3A_79 = tpu.memref_slice %arg5[%dma_wait3A_78] : memref<1024xi32, #tpu.memory_space<vmem>> -> memref<128xi32, #tpu.memory_space<vmem>>
    %dma_wait3A_80 = arith.constant 0 : i32
    %dma_wait3A_81 = arith.constant 0 : i32
    %dma_wait3A_82 = tpu.memref_slice %arg2[%dma_wait3A_80, %dma_wait3A_81] : memref<1000000x128xf32, #tpu.memory_space<hbm>> -> memref<1000000x128xf32, #tpu.memory_space<hbm>>
    tpu.wait_indirect_dma semaphore(%arg15 : memref<!tpu.dma_semaphore, #tpu.memory_space<semaphore_mem>>) src(%dma_wait3A_82 : memref<1000000x128xf32, #tpu.memory_space<hbm>>) dst(%arg9 : memref<128x128xf32, #tpu.memory_space<vmem>>)
    %add3A_83 = arith.constant 0 : i32
    %add3A_84 = arith.addi %multiple_of3A, %add3A_83 : i32
    %add3A_85 = arith.constant 256 : i32
    %add3A_86 = arith.addi %add3A_84, %add3A_85 : i32
    %multiple_of3A_87 = tpu.assume_multiple %add3A_86, 8 : i32
    %dma_start3A_88 = arith.constant 0 : i32
    %dma_start3A_89 = tpu.memref_slice %arg4[%multiple_of3A_87, %dma_start3A_88] : memref<819200x128xf32, #tpu.memory_space<hbm>> -> memref<128x128xf32, #tpu.memory_space<hbm>>
    %dma_start3A_90 = arith.constant 0 : i32
    %dma_start3A_91 = tpu.memref_slice %arg4[%multiple_of3A_87, %dma_start3A_90] : memref<819200x128xf32, #tpu.memory_space<hbm>> -> memref<128x128xf32, #tpu.memory_space<hbm>>
    tpu.enqueue_dma source(%arg9 : memref<128x128xf32, #tpu.memory_space<vmem>>) target(%dma_start3A_91 : memref<128x128xf32, #tpu.memory_space<hbm>>) target_semaphore(%arg19 : memref<!tpu.dma_semaphore, #tpu.memory_space<semaphore_mem>>)
    %add3A_92 = arith.constant 0 : i32
    %add3A_93 = arith.addi %multiple_of3A, %add3A_92 : i32
    %add3A_94 = arith.constant 128 : i32
    %add3A_95 = arith.addi %add3A_93, %add3A_94 : i32
    %multiple_of3A_96 = tpu.assume_multiple %add3A_95, 8 : i32
    %dma_wait3A_97 = arith.constant 0 : i32
    %dma_wait3A_98 = tpu.memref_slice %arg4[%multiple_of3A_96, %dma_wait3A_97] : memref<819200x128xf32, #tpu.memory_space<hbm>> -> memref<128x128xf32, #tpu.memory_space<hbm>>
    %dma_wait3A_99 = arith.constant 0 : i32
    %dma_wait3A_100 = tpu.memref_slice %arg4[%multiple_of3A_96, %dma_wait3A_99] : memref<819200x128xf32, #tpu.memory_space<hbm>> -> memref<128x128xf32, #tpu.memory_space<hbm>>
    tpu.wait_dma2 semaphore(%arg18 : memref<!tpu.dma_semaphore, #tpu.memory_space<semaphore_mem>>) src(%arg8 : memref<128x128xf32, #tpu.memory_space<vmem>>) dst(%dma_wait3A_100 : memref<128x128xf32, #tpu.memory_space<hbm>>)
    %dma_start3A_101 = arith.constant 640 : i32
    %dma_start3A_102 = tpu.memref_slice %arg5[%dma_start3A_101] : memref<1024xi32, #tpu.memory_space<vmem>> -> memref<128xi32, #tpu.memory_space<vmem>>
    %dma_start3A_103 = arith.constant 0 : i32
    %dma_start3A_104 = arith.constant 0 : i32
    %dma_start3A_105 = tpu.memref_slice %arg2[%dma_start3A_103, %dma_start3A_104] : memref<1000000x128xf32, #tpu.memory_space<hbm>> -> memref<1000000x128xf32, #tpu.memory_space<hbm>>
    tpu.enqueue_indirect_dma source(%dma_start3A_105 : memref<1000000x128xf32, #tpu.memory_space<hbm>>) target(%arg8 : memref<128x128xf32, #tpu.memory_space<vmem>>) offsets(%dma_start3A_102 : memref<128xi32, #tpu.memory_space<vmem>>) semaphore(%arg14 : memref<!tpu.dma_semaphore, #tpu.memory_space<semaphore_mem>>)
    %dma_wait3A_106 = arith.constant 384 : i32
    %dma_wait3A_107 = tpu.memref_slice %arg5[%dma_wait3A_106] : memref<1024xi32, #tpu.memory_space<vmem>> -> memref<128xi32, #tpu.memory_space<vmem>>
    %dma_wait3A_108 = arith.constant 0 : i32
    %dma_wait3A_109 = arith.constant 0 : i32
    %dma_wait3A_110 = tpu.memref_slice %arg2[%dma_wait3A_108, %dma_wait3A_109] : memref<1000000x128xf32, #tpu.memory_space<hbm>> -> memref<1000000x128xf32, #tpu.memory_space<hbm>>
    tpu.wait_indirect_dma semaphore(%arg16 : memref<!tpu.dma_semaphore, #tpu.memory_space<semaphore_mem>>) src(%dma_wait3A_110 : memref<1000000x128xf32, #tpu.memory_space<hbm>>) dst(%arg10 : memref<128x128xf32, #tpu.memory_space<vmem>>)
    %add3A_111 = arith.constant 0 : i32
    %add3A_112 = arith.addi %multiple_of3A, %add3A_111 : i32
    %add3A_113 = arith.constant 384 : i32
    %add3A_114 = arith.addi %add3A_112, %add3A_113 : i32
    %multiple_of3A_115 = tpu.assume_multiple %add3A_114, 8 : i32
    %dma_start3A_116 = arith.constant 0 : i32
    %dma_start3A_117 = tpu.memref_slice %arg4[%multiple_of3A_115, %dma_start3A_116] : memref<819200x128xf32, #tpu.memory_space<hbm>> -> memref<128x128xf32, #tpu.memory_space<hbm>>
    %dma_start3A_118 = arith.constant 0 : i32
    %dma_start3A_119 = tpu.memref_slice %arg4[%multiple_of3A_115, %dma_start3A_118] : memref<819200x128xf32, #tpu.memory_space<hbm>> -> memref<128x128xf32, #tpu.memory_space<hbm>>
    tpu.enqueue_dma source(%arg10 : memref<128x128xf32, #tpu.memory_space<vmem>>) target(%dma_start3A_119 : memref<128x128xf32, #tpu.memory_space<hbm>>) target_semaphore(%arg20 : memref<!tpu.dma_semaphore, #tpu.memory_space<semaphore_mem>>)
    %add3A_120 = arith.constant 0 : i32
    %add3A_121 = arith.addi %multiple_of3A, %add3A_120 : i32
    %add3A_122 = arith.constant 256 : i32
    %add3A_123 = arith.addi %add3A_121, %add3A_122 : i32
    %multiple_of3A_124 = tpu.assume_multiple %add3A_123, 8 : i32
    %dma_wait3A_125 = arith.constant 0 : i32
    %dma_wait3A_126 = tpu.memref_slice %arg4[%multiple_of3A_124, %dma_wait3A_125] : memref<819200x128xf32, #tpu.memory_space<hbm>> -> memref<128x128xf32, #tpu.memory_space<hbm>>
    %dma_wait3A_127 = arith.constant 0 : i32
    %dma_wait3A_128 = tpu.memref_slice %arg4[%multiple_of3A_124, %dma_wait3A_127] : memref<819200x128xf32, #tpu.memory_space<hbm>> -> memref<128x128xf32, #tpu.memory_space<hbm>>
    tpu.wait_dma2 semaphore(%arg19 : memref<!tpu.dma_semaphore, #tpu.memory_space<semaphore_mem>>) src(%arg9 : memref<128x128xf32, #tpu.memory_space<vmem>>) dst(%dma_wait3A_128 : memref<128x128xf32, #tpu.memory_space<hbm>>)
    %dma_start3A_129 = arith.constant 768 : i32
    %dma_start3A_130 = tpu.memref_slice %arg5[%dma_start3A_129] : memref<1024xi32, #tpu.memory_space<vmem>> -> memref<128xi32, #tpu.memory_space<vmem>>
    %dma_start3A_131 = arith.constant 0 : i32
    %dma_start3A_132 = arith.constant 0 : i32
    %dma_start3A_133 = tpu.memref_slice %arg2[%dma_start3A_131, %dma_start3A_132] : memref<1000000x128xf32, #tpu.memory_space<hbm>> -> memref<1000000x128xf32, #tpu.memory_space<hbm>>
    tpu.enqueue_indirect_dma source(%dma_start3A_133 : memref<1000000x128xf32, #tpu.memory_space<hbm>>) target(%arg9 : memref<128x128xf32, #tpu.memory_space<vmem>>) offsets(%dma_start3A_130 : memref<128xi32, #tpu.memory_space<vmem>>) semaphore(%arg15 : memref<!tpu.dma_semaphore, #tpu.memory_space<semaphore_mem>>)
    %dma_wait3A_134 = arith.constant 512 : i32
    %dma_wait3A_135 = tpu.memref_slice %arg5[%dma_wait3A_134] : memref<1024xi32, #tpu.memory_space<vmem>> -> memref<128xi32, #tpu.memory_space<vmem>>
    %dma_wait3A_136 = arith.constant 0 : i32
    %dma_wait3A_137 = arith.constant 0 : i32
    %dma_wait3A_138 = tpu.memref_slice %arg2[%dma_wait3A_136, %dma_wait3A_137] : memref<1000000x128xf32, #tpu.memory_space<hbm>> -> memref<1000000x128xf32, #tpu.memory_space<hbm>>
    tpu.wait_indirect_dma semaphore(%arg13 : memref<!tpu.dma_semaphore, #tpu.memory_space<semaphore_mem>>) src(%dma_wait3A_138 : memref<1000000x128xf32, #tpu.memory_space<hbm>>) dst(%arg7 : memref<128x128xf32, #tpu.memory_space<vmem>>)
    %add3A_139 = arith.constant 0 : i32
    %add3A_140 = arith.addi %multiple_of3A, %add3A_139 : i32
    %add3A_141 = arith.constant 512 : i32
    %add3A_142 = arith.addi %add3A_140, %add3A_141 : i32
    %multiple_of3A_143 = tpu.assume_multiple %add3A_142, 8 : i32
    %dma_start3A_144 = arith.constant 0 : i32
    %dma_start3A_145 = tpu.memref_slice %arg4[%multiple_of3A_143, %dma_start3A_144] : memref<819200x128xf32, #tpu.memory_space<hbm>> -> memref<128x128xf32, #tpu.memory_space<hbm>>
    %dma_start3A_146 = arith.constant 0 : i32
    %dma_start3A_147 = tpu.memref_slice %arg4[%multiple_of3A_143, %dma_start3A_146] : memref<819200x128xf32, #tpu.memory_space<hbm>> -> memref<128x128xf32, #tpu.memory_space<hbm>>
    tpu.enqueue_dma source(%arg7 : memref<128x128xf32, #tpu.memory_space<vmem>>) target(%dma_start3A_147 : memref<128x128xf32, #tpu.memory_space<hbm>>) target_semaphore(%arg17 : memref<!tpu.dma_semaphore, #tpu.memory_space<semaphore_mem>>)
    %add3A_148 = arith.constant 0 : i32
    %add3A_149 = arith.addi %multiple_of3A, %add3A_148 : i32
    %add3A_150 = arith.constant 384 : i32
    %add3A_151 = arith.addi %add3A_149, %add3A_150 : i32
    %multiple_of3A_152 = tpu.assume_multiple %add3A_151, 8 : i32
    %dma_wait3A_153 = arith.constant 0 : i32
    %dma_wait3A_154 = tpu.memref_slice %arg4[%multiple_of3A_152, %dma_wait3A_153] : memref<819200x128xf32, #tpu.memory_space<hbm>> -> memref<128x128xf32, #tpu.memory_space<hbm>>
    %dma_wait3A_155 = arith.constant 0 : i32
    %dma_wait3A_156 = tpu.memref_slice %arg4[%multiple_of3A_152, %dma_wait3A_155] : memref<819200x128xf32, #tpu.memory_space<hbm>> -> memref<128x128xf32, #tpu.memory_space<hbm>>
    tpu.wait_dma2 semaphore(%arg20 : memref<!tpu.dma_semaphore, #tpu.memory_space<semaphore_mem>>) src(%arg10 : memref<128x128xf32, #tpu.memory_space<vmem>>) dst(%dma_wait3A_156 : memref<128x128xf32, #tpu.memory_space<hbm>>)
    %dma_start3A_157 = arith.constant 896 : i32
    %dma_start3A_158 = tpu.memref_slice %arg5[%dma_start3A_157] : memref<1024xi32, #tpu.memory_space<vmem>> -> memref<128xi32, #tpu.memory_space<vmem>>
    %dma_start3A_159 = arith.constant 0 : i32
    %dma_start3A_160 = arith.constant 0 : i32
    %dma_start3A_161 = tpu.memref_slice %arg2[%dma_start3A_159, %dma_start3A_160] : memref<1000000x128xf32, #tpu.memory_space<hbm>> -> memref<1000000x128xf32, #tpu.memory_space<hbm>>
    tpu.enqueue_indirect_dma source(%dma_start3A_161 : memref<1000000x128xf32, #tpu.memory_space<hbm>>) target(%arg10 : memref<128x128xf32, #tpu.memory_space<vmem>>) offsets(%dma_start3A_158 : memref<128xi32, #tpu.memory_space<vmem>>) semaphore(%arg16 : memref<!tpu.dma_semaphore, #tpu.memory_space<semaphore_mem>>)
    %dma_wait3A_162 = arith.constant 640 : i32
    %dma_wait3A_163 = tpu.memref_slice %arg5[%dma_wait3A_162] : memref<1024xi32, #tpu.memory_space<vmem>> -> memref<128xi32, #tpu.memory_space<vmem>>
    %dma_wait3A_164 = arith.constant 0 : i32
    %dma_wait3A_165 = arith.constant 0 : i32
    %dma_wait3A_166 = tpu.memref_slice %arg2[%dma_wait3A_164, %dma_wait3A_165] : memref<1000000x128xf32, #tpu.memory_space<hbm>> -> memref<1000000x128xf32, #tpu.memory_space<hbm>>
    tpu.wait_indirect_dma semaphore(%arg14 : memref<!tpu.dma_semaphore, #tpu.memory_space<semaphore_mem>>) src(%dma_wait3A_166 : memref<1000000x128xf32, #tpu.memory_space<hbm>>) dst(%arg8 : memref<128x128xf32, #tpu.memory_space<vmem>>)
    %add3A_167 = arith.constant 0 : i32
    %add3A_168 = arith.addi %multiple_of3A, %add3A_167 : i32
    %add3A_169 = arith.constant 640 : i32
    %add3A_170 = arith.addi %add3A_168, %add3A_169 : i32
    %multiple_of3A_171 = tpu.assume_multiple %add3A_170, 8 : i32
    %dma_start3A_172 = arith.constant 0 : i32
    %dma_start3A_173 = tpu.memref_slice %arg4[%multiple_of3A_171, %dma_start3A_172] : memref<819200x128xf32, #tpu.memory_space<hbm>> -> memref<128x128xf32, #tpu.memory_space<hbm>>
    %dma_start3A_174 = arith.constant 0 : i32
    %dma_start3A_175 = tpu.memref_slice %arg4[%multiple_of3A_171, %dma_start3A_174] : memref<819200x128xf32, #tpu.memory_space<hbm>> -> memref<128x128xf32, #tpu.memory_space<hbm>>
    tpu.enqueue_dma source(%arg8 : memref<128x128xf32, #tpu.memory_space<vmem>>) target(%dma_start3A_175 : memref<128x128xf32, #tpu.memory_space<hbm>>) target_semaphore(%arg18 : memref<!tpu.dma_semaphore, #tpu.memory_space<semaphore_mem>>)
    %scan3A = arith.constant 0 : i32
    %scan3A_176 = arith.constant 12 : i32
    %scan3A_177 = arith.addi %scan3A, %scan3A_176 : i32
    %scan3A_178 = arith.constant 1 : i32
    scf.for %scan3A_249 = %scan3A to %scan3A_177 step %scan3A_178  : i32 {
      %mul3A_250 = arith.constant 2 : i32
      %mul3A_251 = arith.muli %scan3A_249, %mul3A_250 : i32
      %add3A_252 = arith.constant 1 : i32
      %add3A_253 = arith.addi %add3A_252, %mul3A_251 : i32
      %sub3A = arith.constant 1 : i32
      %sub3A_254 = arith.subi %add3A_253, %sub3A : i32
      %mul3A_255 = arith.constant 1024 : i32
      %mul3A_256 = arith.muli %sub3A_254, %mul3A_255 : i32
      %add3A_257 = arith.addi %multiple_of3A, %mul3A_256 : i32
      %add3A_258 = arith.constant 512 : i32
      %add3A_259 = arith.addi %add3A_257, %add3A_258 : i32
      %multiple_of3A_260 = tpu.assume_multiple %add3A_259, 8 : i32
      %dma_wait3A_261 = arith.constant 0 : i32
      %dma_wait3A_262 = tpu.memref_slice %arg4[%multiple_of3A_260, %dma_wait3A_261] : memref<819200x128xf32, #tpu.memory_space<hbm>> -> memref<128x128xf32, #tpu.memory_space<hbm>>
      %dma_wait3A_263 = arith.constant 0 : i32
      %dma_wait3A_264 = tpu.memref_slice %arg4[%multiple_of3A_260, %dma_wait3A_263] : memref<819200x128xf32, #tpu.memory_space<hbm>> -> memref<128x128xf32, #tpu.memory_space<hbm>>
      tpu.wait_dma2 semaphore(%arg17 : memref<!tpu.dma_semaphore, #tpu.memory_space<semaphore_mem>>) src(%arg7 : memref<128x128xf32, #tpu.memory_space<vmem>>) dst(%dma_wait3A_264 : memref<128x128xf32, #tpu.memory_space<hbm>>)
      %mul3A_265 = arith.constant 1024 : i32
      %mul3A_266 = arith.muli %add3A_253, %mul3A_265 : i32
      %add3A_267 = arith.addi %multiple_of3A, %mul3A_266 : i32
      %multiple_of3A_268 = tpu.assume_multiple %add3A_267, 1024 : i32
      %dma_wait3A_269 = tpu.memref_slice %arg3[%multiple_of3A_268] : memref<819200xi32, #tpu.memory_space<hbm>> -> memref<1024xi32, #tpu.memory_space<hbm>>
      %dma_wait3A_270 = tpu.memref_slice %arg3[%multiple_of3A_268] : memref<819200xi32, #tpu.memory_space<hbm>> -> memref<1024xi32, #tpu.memory_space<hbm>>
      tpu.wait_dma2 semaphore(%arg12 : memref<!tpu.dma_semaphore, #tpu.memory_space<semaphore_mem>>) src(%dma_wait3A_270 : memref<1024xi32, #tpu.memory_space<hbm>>) dst(%arg6 : memref<1024xi32, #tpu.memory_space<vmem>>)
      %dma_start3A_271 = arith.constant 0 : i32
      %dma_start3A_272 = tpu.memref_slice %arg6[%dma_start3A_271] : memref<1024xi32, #tpu.memory_space<vmem>> -> memref<128xi32, #tpu.memory_space<vmem>>
      %dma_start3A_273 = arith.constant 0 : i32
      %dma_start3A_274 = arith.constant 0 : i32
      %dma_start3A_275 = tpu.memref_slice %arg2[%dma_start3A_273, %dma_start3A_274] : memref<1000000x128xf32, #tpu.memory_space<hbm>> -> memref<1000000x128xf32, #tpu.memory_space<hbm>>
      tpu.enqueue_indirect_dma source(%dma_start3A_275 : memref<1000000x128xf32, #tpu.memory_space<hbm>>) target(%arg7 : memref<128x128xf32, #tpu.memory_space<vmem>>) offsets(%dma_start3A_272 : memref<128xi32, #tpu.memory_space<vmem>>) semaphore(%arg13 : memref<!tpu.dma_semaphore, #tpu.memory_space<semaphore_mem>>)
      %dma_wait3A_276 = arith.constant 768 : i32
      %dma_wait3A_277 = tpu.memref_slice %arg5[%dma_wait3A_276] : memref<1024xi32, #tpu.memory_space<vmem>> -> memref<128xi32, #tpu.memory_space<vmem>>
      %dma_wait3A_278 = arith.constant 0 : i32
      %dma_wait3A_279 = arith.constant 0 : i32
      %dma_wait3A_280 = tpu.memref_slice %arg2[%dma_wait3A_278, %dma_wait3A_279] : memref<1000000x128xf32, #tpu.memory_space<hbm>> -> memref<1000000x128xf32, #tpu.memory_space<hbm>>
      tpu.wait_indirect_dma semaphore(%arg15 : memref<!tpu.dma_semaphore, #tpu.memory_space<semaphore_mem>>) src(%dma_wait3A_280 : memref<1000000x128xf32, #tpu.memory_space<hbm>>) dst(%arg9 : memref<128x128xf32, #tpu.memory_space<vmem>>)
      %sub3A_281 = arith.constant 1 : i32
      %sub3A_282 = arith.subi %add3A_253, %sub3A_281 : i32
      %mul3A_283 = arith.constant 1024 : i32
      %mul3A_284 = arith.muli %sub3A_282, %mul3A_283 : i32
      %add3A_285 = arith.addi %multiple_of3A, %mul3A_284 : i32
      %add3A_286 = arith.constant 768 : i32
      %add3A_287 = arith.addi %add3A_285, %add3A_286 : i32
      %multiple_of3A_288 = tpu.assume_multiple %add3A_287, 8 : i32
      %dma_start3A_289 = arith.constant 0 : i32
      %dma_start3A_290 = tpu.memref_slice %arg4[%multiple_of3A_288, %dma_start3A_289] : memref<819200x128xf32, #tpu.memory_space<hbm>> -> memref<128x128xf32, #tpu.memory_space<hbm>>
      %dma_start3A_291 = arith.constant 0 : i32
      %dma_start3A_292 = tpu.memref_slice %arg4[%multiple_of3A_288, %dma_start3A_291] : memref<819200x128xf32, #tpu.memory_space<hbm>> -> memref<128x128xf32, #tpu.memory_space<hbm>>
      tpu.enqueue_dma source(%arg9 : memref<128x128xf32, #tpu.memory_space<vmem>>) target(%dma_start3A_292 : memref<128x128xf32, #tpu.memory_space<hbm>>) target_semaphore(%arg19 : memref<!tpu.dma_semaphore, #tpu.memory_space<semaphore_mem>>)
      %sub3A_293 = arith.constant 1 : i32
      %sub3A_294 = arith.subi %add3A_253, %sub3A_293 : i32
      %mul3A_295 = arith.constant 1024 : i32
      %mul3A_296 = arith.muli %sub3A_294, %mul3A_295 : i32
      %add3A_297 = arith.addi %multiple_of3A, %mul3A_296 : i32
      %add3A_298 = arith.constant 640 : i32
      %add3A_299 = arith.addi %add3A_297, %add3A_298 : i32
      %multiple_of3A_300 = tpu.assume_multiple %add3A_299, 8 : i32
      %dma_wait3A_301 = arith.constant 0 : i32
      %dma_wait3A_302 = tpu.memref_slice %arg4[%multiple_of3A_300, %dma_wait3A_301] : memref<819200x128xf32, #tpu.memory_space<hbm>> -> memref<128x128xf32, #tpu.memory_space<hbm>>
      %dma_wait3A_303 = arith.constant 0 : i32
      %dma_wait3A_304 = tpu.memref_slice %arg4[%multiple_of3A_300, %dma_wait3A_303] : memref<819200x128xf32, #tpu.memory_space<hbm>> -> memref<128x128xf32, #tpu.memory_space<hbm>>
      tpu.wait_dma2 semaphore(%arg18 : memref<!tpu.dma_semaphore, #tpu.memory_space<semaphore_mem>>) src(%arg8 : memref<128x128xf32, #tpu.memory_space<vmem>>) dst(%dma_wait3A_304 : memref<128x128xf32, #tpu.memory_space<hbm>>)
      %dma_start3A_305 = arith.constant 128 : i32
      %dma_start3A_306 = tpu.memref_slice %arg6[%dma_start3A_305] : memref<1024xi32, #tpu.memory_space<vmem>> -> memref<128xi32, #tpu.memory_space<vmem>>
      %dma_start3A_307 = arith.constant 0 : i32
      %dma_start3A_308 = arith.constant 0 : i32
      %dma_start3A_309 = tpu.memref_slice %arg2[%dma_start3A_307, %dma_start3A_308] : memref<1000000x128xf32, #tpu.memory_space<hbm>> -> memref<1000000x128xf32, #tpu.memory_space<hbm>>
      tpu.enqueue_indirect_dma source(%dma_start3A_309 : memref<1000000x128xf32, #tpu.memory_space<hbm>>) target(%arg8 : memref<128x128xf32, #tpu.memory_space<vmem>>) offsets(%dma_start3A_306 : memref<128xi32, #tpu.memory_space<vmem>>) semaphore(%arg14 : memref<!tpu.dma_semaphore, #tpu.memory_space<semaphore_mem>>)
      %dma_wait3A_310 = arith.constant 896 : i32
      %dma_wait3A_311 = tpu.memref_slice %arg5[%dma_wait3A_310] : memref<1024xi32, #tpu.memory_space<vmem>> -> memref<128xi32, #tpu.memory_space<vmem>>
      %dma_wait3A_312 = arith.constant 0 : i32
      %dma_wait3A_313 = arith.constant 0 : i32
      %dma_wait3A_314 = tpu.memref_slice %arg2[%dma_wait3A_312, %dma_wait3A_313] : memref<1000000x128xf32, #tpu.memory_space<hbm>> -> memref<1000000x128xf32, #tpu.memory_space<hbm>>
      tpu.wait_indirect_dma semaphore(%arg16 : memref<!tpu.dma_semaphore, #tpu.memory_space<semaphore_mem>>) src(%dma_wait3A_314 : memref<1000000x128xf32, #tpu.memory_space<hbm>>) dst(%arg10 : memref<128x128xf32, #tpu.memory_space<vmem>>)
      %sub3A_315 = arith.constant 1 : i32
      %sub3A_316 = arith.subi %add3A_253, %sub3A_315 : i32
      %mul3A_317 = arith.constant 1024 : i32
      %mul3A_318 = arith.muli %sub3A_316, %mul3A_317 : i32
      %add3A_319 = arith.addi %multiple_of3A, %mul3A_318 : i32
      %add3A_320 = arith.constant 896 : i32
      %add3A_321 = arith.addi %add3A_319, %add3A_320 : i32
      %multiple_of3A_322 = tpu.assume_multiple %add3A_321, 8 : i32
      %dma_start3A_323 = arith.constant 0 : i32
      %dma_start3A_324 = tpu.memref_slice %arg4[%multiple_of3A_322, %dma_start3A_323] : memref<819200x128xf32, #tpu.memory_space<hbm>> -> memref<128x128xf32, #tpu.memory_space<hbm>>
      %dma_start3A_325 = arith.constant 0 : i32
      %dma_start3A_326 = tpu.memref_slice %arg4[%multiple_of3A_322, %dma_start3A_325] : memref<819200x128xf32, #tpu.memory_space<hbm>> -> memref<128x128xf32, #tpu.memory_space<hbm>>
      tpu.enqueue_dma source(%arg10 : memref<128x128xf32, #tpu.memory_space<vmem>>) target(%dma_start3A_326 : memref<128x128xf32, #tpu.memory_space<hbm>>) target_semaphore(%arg20 : memref<!tpu.dma_semaphore, #tpu.memory_space<semaphore_mem>>)
      %add3A_327 = arith.constant 1 : i32
      %add3A_328 = arith.addi %add3A_253, %add3A_327 : i32
      %min3A = arith.constant 24 : i32
      %min3A_329 = arith.minsi %add3A_328, %min3A : i32
      %mul3A_330 = arith.constant 1024 : i32
      %mul3A_331 = arith.muli %min3A_329, %mul3A_330 : i32
      %add3A_332 = arith.addi %multiple_of3A, %mul3A_331 : i32
      %multiple_of3A_333 = tpu.assume_multiple %add3A_332, 1024 : i32
      %dma_start3A_334 = tpu.memref_slice %arg3[%multiple_of3A_333] : memref<819200xi32, #tpu.memory_space<hbm>> -> memref<1024xi32, #tpu.memory_space<hbm>>
      %dma_start3A_335 = tpu.memref_slice %arg3[%multiple_of3A_333] : memref<819200xi32, #tpu.memory_space<hbm>> -> memref<1024xi32, #tpu.memory_space<hbm>>
      tpu.enqueue_dma source(%dma_start3A_335 : memref<1024xi32, #tpu.memory_space<hbm>>) target(%arg5 : memref<1024xi32, #tpu.memory_space<vmem>>) target_semaphore(%arg11 : memref<!tpu.dma_semaphore, #tpu.memory_space<semaphore_mem>>)
      %sub3A_336 = arith.constant 1 : i32
      %sub3A_337 = arith.subi %add3A_253, %sub3A_336 : i32
      %mul3A_338 = arith.constant 1024 : i32
      %mul3A_339 = arith.muli %sub3A_337, %mul3A_338 : i32
      %add3A_340 = arith.addi %multiple_of3A, %mul3A_339 : i32
      %add3A_341 = arith.constant 768 : i32
      %add3A_342 = arith.addi %add3A_340, %add3A_341 : i32
      %multiple_of3A_343 = tpu.assume_multiple %add3A_342, 8 : i32
      %dma_wait3A_344 = arith.constant 0 : i32
      %dma_wait3A_345 = tpu.memref_slice %arg4[%multiple_of3A_343, %dma_wait3A_344] : memref<819200x128xf32, #tpu.memory_space<hbm>> -> memref<128x128xf32, #tpu.memory_space<hbm>>
      %dma_wait3A_346 = arith.constant 0 : i32
      %dma_wait3A_347 = tpu.memref_slice %arg4[%multiple_of3A_343, %dma_wait3A_346] : memref<819200x128xf32, #tpu.memory_space<hbm>> -> memref<128x128xf32, #tpu.memory_space<hbm>>
      tpu.wait_dma2 semaphore(%arg19 : memref<!tpu.dma_semaphore, #tpu.memory_space<semaphore_mem>>) src(%arg9 : memref<128x128xf32, #tpu.memory_space<vmem>>) dst(%dma_wait3A_347 : memref<128x128xf32, #tpu.memory_space<hbm>>)
      %dma_start3A_348 = arith.constant 256 : i32
      %dma_start3A_349 = tpu.memref_slice %arg6[%dma_start3A_348] : memref<1024xi32, #tpu.memory_space<vmem>> -> memref<128xi32, #tpu.memory_space<vmem>>
      %dma_start3A_350 = arith.constant 0 : i32
      %dma_start3A_351 = arith.constant 0 : i32
      %dma_start3A_352 = tpu.memref_slice %arg2[%dma_start3A_350, %dma_start3A_351] : memref<1000000x128xf32, #tpu.memory_space<hbm>> -> memref<1000000x128xf32, #tpu.memory_space<hbm>>
      tpu.enqueue_indirect_dma source(%dma_start3A_352 : memref<1000000x128xf32, #tpu.memory_space<hbm>>) target(%arg9 : memref<128x128xf32, #tpu.memory_space<vmem>>) offsets(%dma_start3A_349 : memref<128xi32, #tpu.memory_space<vmem>>) semaphore(%arg15 : memref<!tpu.dma_semaphore, #tpu.memory_space<semaphore_mem>>)
      %dma_wait3A_353 = arith.constant 0 : i32
      %dma_wait3A_354 = tpu.memref_slice %arg6[%dma_wait3A_353] : memref<1024xi32, #tpu.memory_space<vmem>> -> memref<128xi32, #tpu.memory_space<vmem>>
      %dma_wait3A_355 = arith.constant 0 : i32
      %dma_wait3A_356 = arith.constant 0 : i32
      %dma_wait3A_357 = tpu.memref_slice %arg2[%dma_wait3A_355, %dma_wait3A_356] : memref<1000000x128xf32, #tpu.memory_space<hbm>> -> memref<1000000x128xf32, #tpu.memory_space<hbm>>
      tpu.wait_indirect_dma semaphore(%arg13 : memref<!tpu.dma_semaphore, #tpu.memory_space<semaphore_mem>>) src(%dma_wait3A_357 : memref<1000000x128xf32, #tpu.memory_space<hbm>>) dst(%arg7 : memref<128x128xf32, #tpu.memory_space<vmem>>)
      %mul3A_358 = arith.constant 1024 : i32
      %mul3A_359 = arith.muli %add3A_253, %mul3A_358 : i32
      %add3A_360 = arith.addi %multiple_of3A, %mul3A_359 : i32
      %add3A_361 = arith.constant 0 : i32
      %add3A_362 = arith.addi %add3A_360, %add3A_361 : i32
      %multiple_of3A_363 = tpu.assume_multiple %add3A_362, 8 : i32
      %dma_start3A_364 = arith.constant 0 : i32
      %dma_start3A_365 = tpu.memref_slice %arg4[%multiple_of3A_363, %dma_start3A_364] : memref<819200x128xf32, #tpu.memory_space<hbm>> -> memref<128x128xf32, #tpu.memory_space<hbm>>
      %dma_start3A_366 = arith.constant 0 : i32
      %dma_start3A_367 = tpu.memref_slice %arg4[%multiple_of3A_363, %dma_start3A_366] : memref<819200x128xf32, #tpu.memory_space<hbm>> -> memref<128x128xf32, #tpu.memory_space<hbm>>
      tpu.enqueue_dma source(%arg7 : memref<128x128xf32, #tpu.memory_space<vmem>>) target(%dma_start3A_367 : memref<128x128xf32, #tpu.memory_space<hbm>>) target_semaphore(%arg17 : memref<!tpu.dma_semaphore, #tpu.memory_space<semaphore_mem>>)
      %sub3A_368 = arith.constant 1 : i32
      %sub3A_369 = arith.subi %add3A_253, %sub3A_368 : i32
      %mul3A_370 = arith.constant 1024 : i32
      %mul3A_371 = arith.muli %sub3A_369, %mul3A_370 : i32
      %add3A_372 = arith.addi %multiple_of3A, %mul3A_371 : i32
      %add3A_373 = arith.constant 896 : i32
      %add3A_374 = arith.addi %add3A_372, %add3A_373 : i32
      %multiple_of3A_375 = tpu.assume_multiple %add3A_374, 8 : i32
      %dma_wait3A_376 = arith.constant 0 : i32
      %dma_wait3A_377 = tpu.memref_slice %arg4[%multiple_of3A_375, %dma_wait3A_376] : memref<819200x128xf32, #tpu.memory_space<hbm>> -> memref<128x128xf32, #tpu.memory_space<hbm>>
      %dma_wait3A_378 = arith.constant 0 : i32
      %dma_wait3A_379 = tpu.memref_slice %arg4[%multiple_of3A_375, %dma_wait3A_378] : memref<819200x128xf32, #tpu.memory_space<hbm>> -> memref<128x128xf32, #tpu.memory_space<hbm>>
      tpu.wait_dma2 semaphore(%arg20 : memref<!tpu.dma_semaphore, #tpu.memory_space<semaphore_mem>>) src(%arg10 : memref<128x128xf32, #tpu.memory_space<vmem>>) dst(%dma_wait3A_379 : memref<128x128xf32, #tpu.memory_space<hbm>>)
      %dma_start3A_380 = arith.constant 384 : i32
      %dma_start3A_381 = tpu.memref_slice %arg6[%dma_start3A_380] : memref<1024xi32, #tpu.memory_space<vmem>> -> memref<128xi32, #tpu.memory_space<vmem>>
      %dma_start3A_382 = arith.constant 0 : i32
      %dma_start3A_383 = arith.constant 0 : i32
      %dma_start3A_384 = tpu.memref_slice %arg2[%dma_start3A_382, %dma_start3A_383] : memref<1000000x128xf32, #tpu.memory_space<hbm>> -> memref<1000000x128xf32, #tpu.memory_space<hbm>>
      tpu.enqueue_indirect_dma source(%dma_start3A_384 : memref<1000000x128xf32, #tpu.memory_space<hbm>>) target(%arg10 : memref<128x128xf32, #tpu.memory_space<vmem>>) offsets(%dma_start3A_381 : memref<128xi32, #tpu.memory_space<vmem>>) semaphore(%arg16 : memref<!tpu.dma_semaphore, #tpu.memory_space<semaphore_mem>>)
      %dma_wait3A_385 = arith.constant 128 : i32
      %dma_wait3A_386 = tpu.memref_slice %arg6[%dma_wait3A_385] : memref<1024xi32, #tpu.memory_space<vmem>> -> memref<128xi32, #tpu.memory_space<vmem>>
      %dma_wait3A_387 = arith.constant 0 : i32
      %dma_wait3A_388 = arith.constant 0 : i32
      %dma_wait3A_389 = tpu.memref_slice %arg2[%dma_wait3A_387, %dma_wait3A_388] : memref<1000000x128xf32, #tpu.memory_space<hbm>> -> memref<1000000x128xf32, #tpu.memory_space<hbm>>
      tpu.wait_indirect_dma semaphore(%arg14 : memref<!tpu.dma_semaphore, #tpu.memory_space<semaphore_mem>>) src(%dma_wait3A_389 : memref<1000000x128xf32, #tpu.memory_space<hbm>>) dst(%arg8 : memref<128x128xf32, #tpu.memory_space<vmem>>)
      %mul3A_390 = arith.constant 1024 : i32
      %mul3A_391 = arith.muli %add3A_253, %mul3A_390 : i32
      %add3A_392 = arith.addi %multiple_of3A, %mul3A_391 : i32
      %add3A_393 = arith.constant 128 : i32
      %add3A_394 = arith.addi %add3A_392, %add3A_393 : i32
      %multiple_of3A_395 = tpu.assume_multiple %add3A_394, 8 : i32
      %dma_start3A_396 = arith.constant 0 : i32
      %dma_start3A_397 = tpu.memref_slice %arg4[%multiple_of3A_395, %dma_start3A_396] : memref<819200x128xf32, #tpu.memory_space<hbm>> -> memref<128x128xf32, #tpu.memory_space<hbm>>
      %dma_start3A_398 = arith.constant 0 : i32
      %dma_start3A_399 = tpu.memref_slice %arg4[%multiple_of3A_395, %dma_start3A_398] : memref<819200x128xf32, #tpu.memory_space<hbm>> -> memref<128x128xf32, #tpu.memory_space<hbm>>
      tpu.enqueue_dma source(%arg8 : memref<128x128xf32, #tpu.memory_space<vmem>>) target(%dma_start3A_399 : memref<128x128xf32, #tpu.memory_space<hbm>>) target_semaphore(%arg18 : memref<!tpu.dma_semaphore, #tpu.memory_space<semaphore_mem>>)
      %mul3A_400 = arith.constant 1024 : i32
      %mul3A_401 = arith.muli %add3A_253, %mul3A_400 : i32
      %add3A_402 = arith.addi %multiple_of3A, %mul3A_401 : i32
      %add3A_403 = arith.constant 0 : i32
      %add3A_404 = arith.addi %add3A_402, %add3A_403 : i32
      %multiple_of3A_405 = tpu.assume_multiple %add3A_404, 8 : i32
      %dma_wait3A_406 = arith.constant 0 : i32
      %dma_wait3A_407 = tpu.memref_slice %arg4[%multiple_of3A_405, %dma_wait3A_406] : memref<819200x128xf32, #tpu.memory_space<hbm>> -> memref<128x128xf32, #tpu.memory_space<hbm>>
      %dma_wait3A_408 = arith.constant 0 : i32
      %dma_wait3A_409 = tpu.memref_slice %arg4[%multiple_of3A_405, %dma_wait3A_408] : memref<819200x128xf32, #tpu.memory_space<hbm>> -> memref<128x128xf32, #tpu.memory_space<hbm>>
      tpu.wait_dma2 semaphore(%arg17 : memref<!tpu.dma_semaphore, #tpu.memory_space<semaphore_mem>>) src(%arg7 : memref<128x128xf32, #tpu.memory_space<vmem>>) dst(%dma_wait3A_409 : memref<128x128xf32, #tpu.memory_space<hbm>>)
      %dma_start3A_410 = arith.constant 512 : i32
      %dma_start3A_411 = tpu.memref_slice %arg6[%dma_start3A_410] : memref<1024xi32, #tpu.memory_space<vmem>> -> memref<128xi32, #tpu.memory_space<vmem>>
      %dma_start3A_412 = arith.constant 0 : i32
      %dma_start3A_413 = arith.constant 0 : i32
      %dma_start3A_414 = tpu.memref_slice %arg2[%dma_start3A_412, %dma_start3A_413] : memref<1000000x128xf32, #tpu.memory_space<hbm>> -> memref<1000000x128xf32, #tpu.memory_space<hbm>>
      tpu.enqueue_indirect_dma source(%dma_start3A_414 : memref<1000000x128xf32, #tpu.memory_space<hbm>>) target(%arg7 : memref<128x128xf32, #tpu.memory_space<vmem>>) offsets(%dma_start3A_411 : memref<128xi32, #tpu.memory_space<vmem>>) semaphore(%arg13 : memref<!tpu.dma_semaphore, #tpu.memory_space<semaphore_mem>>)
      %dma_wait3A_415 = arith.constant 256 : i32
      %dma_wait3A_416 = tpu.memref_slice %arg6[%dma_wait3A_415] : memref<1024xi32, #tpu.memory_space<vmem>> -> memref<128xi32, #tpu.memory_space<vmem>>
      %dma_wait3A_417 = arith.constant 0 : i32
      %dma_wait3A_418 = arith.constant 0 : i32
      %dma_wait3A_419 = tpu.memref_slice %arg2[%dma_wait3A_417, %dma_wait3A_418] : memref<1000000x128xf32, #tpu.memory_space<hbm>> -> memref<1000000x128xf32, #tpu.memory_space<hbm>>
      tpu.wait_indirect_dma semaphore(%arg15 : memref<!tpu.dma_semaphore, #tpu.memory_space<semaphore_mem>>) src(%dma_wait3A_419 : memref<1000000x128xf32, #tpu.memory_space<hbm>>) dst(%arg9 : memref<128x128xf32, #tpu.memory_space<vmem>>)
      %mul3A_420 = arith.constant 1024 : i32
      %mul3A_421 = arith.muli %add3A_253, %mul3A_420 : i32
      %add3A_422 = arith.addi %multiple_of3A, %mul3A_421 : i32
      %add3A_423 = arith.constant 256 : i32
      %add3A_424 = arith.addi %add3A_422, %add3A_423 : i32
      %multiple_of3A_425 = tpu.assume_multiple %add3A_424, 8 : i32
      %dma_start3A_426 = arith.constant 0 : i32
      %dma_start3A_427 = tpu.memref_slice %arg4[%multiple_of3A_425, %dma_start3A_426] : memref<819200x128xf32, #tpu.memory_space<hbm>> -> memref<128x128xf32, #tpu.memory_space<hbm>>
      %dma_start3A_428 = arith.constant 0 : i32
      %dma_start3A_429 = tpu.memref_slice %arg4[%multiple_of3A_425, %dma_start3A_428] : memref<819200x128xf32, #tpu.memory_space<hbm>> -> memref<128x128xf32, #tpu.memory_space<hbm>>
      tpu.enqueue_dma source(%arg9 : memref<128x128xf32, #tpu.memory_space<vmem>>) target(%dma_start3A_429 : memref<128x128xf32, #tpu.memory_space<hbm>>) target_semaphore(%arg19 : memref<!tpu.dma_semaphore, #tpu.memory_space<semaphore_mem>>)
      %mul3A_430 = arith.constant 1024 : i32
      %mul3A_431 = arith.muli %add3A_253, %mul3A_430 : i32
      %add3A_432 = arith.addi %multiple_of3A, %mul3A_431 : i32
      %add3A_433 = arith.constant 128 : i32
      %add3A_434 = arith.addi %add3A_432, %add3A_433 : i32
      %multiple_of3A_435 = tpu.assume_multiple %add3A_434, 8 : i32
      %dma_wait3A_436 = arith.constant 0 : i32
      %dma_wait3A_437 = tpu.memref_slice %arg4[%multiple_of3A_435, %dma_wait3A_436] : memref<819200x128xf32, #tpu.memory_space<hbm>> -> memref<128x128xf32, #tpu.memory_space<hbm>>
      %dma_wait3A_438 = arith.constant 0 : i32
      %dma_wait3A_439 = tpu.memref_slice %arg4[%multiple_of3A_435, %dma_wait3A_438] : memref<819200x128xf32, #tpu.memory_space<hbm>> -> memref<128x128xf32, #tpu.memory_space<hbm>>
      tpu.wait_dma2 semaphore(%arg18 : memref<!tpu.dma_semaphore, #tpu.memory_space<semaphore_mem>>) src(%arg8 : memref<128x128xf32, #tpu.memory_space<vmem>>) dst(%dma_wait3A_439 : memref<128x128xf32, #tpu.memory_space<hbm>>)
      %dma_start3A_440 = arith.constant 640 : i32
      %dma_start3A_441 = tpu.memref_slice %arg6[%dma_start3A_440] : memref<1024xi32, #tpu.memory_space<vmem>> -> memref<128xi32, #tpu.memory_space<vmem>>
      %dma_start3A_442 = arith.constant 0 : i32
      %dma_start3A_443 = arith.constant 0 : i32
      %dma_start3A_444 = tpu.memref_slice %arg2[%dma_start3A_442, %dma_start3A_443] : memref<1000000x128xf32, #tpu.memory_space<hbm>> -> memref<1000000x128xf32, #tpu.memory_space<hbm>>
      tpu.enqueue_indirect_dma source(%dma_start3A_444 : memref<1000000x128xf32, #tpu.memory_space<hbm>>) target(%arg8 : memref<128x128xf32, #tpu.memory_space<vmem>>) offsets(%dma_start3A_441 : memref<128xi32, #tpu.memory_space<vmem>>) semaphore(%arg14 : memref<!tpu.dma_semaphore, #tpu.memory_space<semaphore_mem>>)
      %dma_wait3A_445 = arith.constant 384 : i32
      %dma_wait3A_446 = tpu.memref_slice %arg6[%dma_wait3A_445] : memref<1024xi32, #tpu.memory_space<vmem>> -> memref<128xi32, #tpu.memory_space<vmem>>
      %dma_wait3A_447 = arith.constant 0 : i32
      %dma_wait3A_448 = arith.constant 0 : i32
      %dma_wait3A_449 = tpu.memref_slice %arg2[%dma_wait3A_447, %dma_wait3A_448] : memref<1000000x128xf32, #tpu.memory_space<hbm>> -> memref<1000000x128xf32, #tpu.memory_space<hbm>>
      tpu.wait_indirect_dma semaphore(%arg16 : memref<!tpu.dma_semaphore, #tpu.memory_space<semaphore_mem>>) src(%dma_wait3A_449 : memref<1000000x128xf32, #tpu.memory_space<hbm>>) dst(%arg10 : memref<128x128xf32, #tpu.memory_space<vmem>>)
      %mul3A_450 = arith.constant 1024 : i32
      %mul3A_451 = arith.muli %add3A_253, %mul3A_450 : i32
      %add3A_452 = arith.addi %multiple_of3A, %mul3A_451 : i32
      %add3A_453 = arith.constant 384 : i32
      %add3A_454 = arith.addi %add3A_452, %add3A_453 : i32
      %multiple_of3A_455 = tpu.assume_multiple %add3A_454, 8 : i32
      %dma_start3A_456 = arith.constant 0 : i32
      %dma_start3A_457 = tpu.memref_slice %arg4[%multiple_of3A_455, %dma_start3A_456] : memref<819200x128xf32, #tpu.memory_space<hbm>> -> memref<128x128xf32, #tpu.memory_space<hbm>>
      %dma_start3A_458 = arith.constant 0 : i32
      %dma_start3A_459 = tpu.memref_slice %arg4[%multiple_of3A_455, %dma_start3A_458] : memref<819200x128xf32, #tpu.memory_space<hbm>> -> memref<128x128xf32, #tpu.memory_space<hbm>>
      tpu.enqueue_dma source(%arg10 : memref<128x128xf32, #tpu.memory_space<vmem>>) target(%dma_start3A_459 : memref<128x128xf32, #tpu.memory_space<hbm>>) target_semaphore(%arg20 : memref<!tpu.dma_semaphore, #tpu.memory_space<semaphore_mem>>)
      %mul3A_460 = arith.constant 1024 : i32
      %mul3A_461 = arith.muli %add3A_253, %mul3A_460 : i32
      %add3A_462 = arith.addi %multiple_of3A, %mul3A_461 : i32
      %add3A_463 = arith.constant 256 : i32
      %add3A_464 = arith.addi %add3A_462, %add3A_463 : i32
      %multiple_of3A_465 = tpu.assume_multiple %add3A_464, 8 : i32
      %dma_wait3A_466 = arith.constant 0 : i32
      %dma_wait3A_467 = tpu.memref_slice %arg4[%multiple_of3A_465, %dma_wait3A_466] : memref<819200x128xf32, #tpu.memory_space<hbm>> -> memref<128x128xf32, #tpu.memory_space<hbm>>
      %dma_wait3A_468 = arith.constant 0 : i32
      %dma_wait3A_469 = tpu.memref_slice %arg4[%multiple_of3A_465, %dma_wait3A_468] : memref<819200x128xf32, #tpu.memory_space<hbm>> -> memref<128x128xf32, #tpu.memory_space<hbm>>
      tpu.wait_dma2 semaphore(%arg19 : memref<!tpu.dma_semaphore, #tpu.memory_space<semaphore_mem>>) src(%arg9 : memref<128x128xf32, #tpu.memory_space<vmem>>) dst(%dma_wait3A_469 : memref<128x128xf32, #tpu.memory_space<hbm>>)
      %dma_start3A_470 = arith.constant 768 : i32
      %dma_start3A_471 = tpu.memref_slice %arg6[%dma_start3A_470] : memref<1024xi32, #tpu.memory_space<vmem>> -> memref<128xi32, #tpu.memory_space<vmem>>
      %dma_start3A_472 = arith.constant 0 : i32
      %dma_start3A_473 = arith.constant 0 : i32
      %dma_start3A_474 = tpu.memref_slice %arg2[%dma_start3A_472, %dma_start3A_473] : memref<1000000x128xf32, #tpu.memory_space<hbm>> -> memref<1000000x128xf32, #tpu.memory_space<hbm>>
      tpu.enqueue_indirect_dma source(%dma_start3A_474 : memref<1000000x128xf32, #tpu.memory_space<hbm>>) target(%arg9 : memref<128x128xf32, #tpu.memory_space<vmem>>) offsets(%dma_start3A_471 : memref<128xi32, #tpu.memory_space<vmem>>) semaphore(%arg15 : memref<!tpu.dma_semaphore, #tpu.memory_space<semaphore_mem>>)
      %dma_wait3A_475 = arith.constant 512 : i32
      %dma_wait3A_476 = tpu.memref_slice %arg6[%dma_wait3A_475] : memref<1024xi32, #tpu.memory_space<vmem>> -> memref<128xi32, #tpu.memory_space<vmem>>
      %dma_wait3A_477 = arith.constant 0 : i32
      %dma_wait3A_478 = arith.constant 0 : i32
      %dma_wait3A_479 = tpu.memref_slice %arg2[%dma_wait3A_477, %dma_wait3A_478] : memref<1000000x128xf32, #tpu.memory_space<hbm>> -> memref<1000000x128xf32, #tpu.memory_space<hbm>>
      tpu.wait_indirect_dma semaphore(%arg13 : memref<!tpu.dma_semaphore, #tpu.memory_space<semaphore_mem>>) src(%dma_wait3A_479 : memref<1000000x128xf32, #tpu.memory_space<hbm>>) dst(%arg7 : memref<128x128xf32, #tpu.memory_space<vmem>>)
      %mul3A_480 = arith.constant 1024 : i32
      %mul3A_481 = arith.muli %add3A_253, %mul3A_480 : i32
      %add3A_482 = arith.addi %multiple_of3A, %mul3A_481 : i32
      %add3A_483 = arith.constant 512 : i32
      %add3A_484 = arith.addi %add3A_482, %add3A_483 : i32
      %multiple_of3A_485 = tpu.assume_multiple %add3A_484, 8 : i32
      %dma_start3A_486 = arith.constant 0 : i32
      %dma_start3A_487 = tpu.memref_slice %arg4[%multiple_of3A_485, %dma_start3A_486] : memref<819200x128xf32, #tpu.memory_space<hbm>> -> memref<128x128xf32, #tpu.memory_space<hbm>>
      %dma_start3A_488 = arith.constant 0 : i32
      %dma_start3A_489 = tpu.memref_slice %arg4[%multiple_of3A_485, %dma_start3A_488] : memref<819200x128xf32, #tpu.memory_space<hbm>> -> memref<128x128xf32, #tpu.memory_space<hbm>>
      tpu.enqueue_dma source(%arg7 : memref<128x128xf32, #tpu.memory_space<vmem>>) target(%dma_start3A_489 : memref<128x128xf32, #tpu.memory_space<hbm>>) target_semaphore(%arg17 : memref<!tpu.dma_semaphore, #tpu.memory_space<semaphore_mem>>)
      %mul3A_490 = arith.constant 1024 : i32
      %mul3A_491 = arith.muli %add3A_253, %mul3A_490 : i32
      %add3A_492 = arith.addi %multiple_of3A, %mul3A_491 : i32
      %add3A_493 = arith.constant 384 : i32
      %add3A_494 = arith.addi %add3A_492, %add3A_493 : i32
      %multiple_of3A_495 = tpu.assume_multiple %add3A_494, 8 : i32
      %dma_wait3A_496 = arith.constant 0 : i32
      %dma_wait3A_497 = tpu.memref_slice %arg4[%multiple_of3A_495, %dma_wait3A_496] : memref<819200x128xf32, #tpu.memory_space<hbm>> -> memref<128x128xf32, #tpu.memory_space<hbm>>
      %dma_wait3A_498 = arith.constant 0 : i32
      %dma_wait3A_499 = tpu.memref_slice %arg4[%multiple_of3A_495, %dma_wait3A_498] : memref<819200x128xf32, #tpu.memory_space<hbm>> -> memref<128x128xf32, #tpu.memory_space<hbm>>
      tpu.wait_dma2 semaphore(%arg20 : memref<!tpu.dma_semaphore, #tpu.memory_space<semaphore_mem>>) src(%arg10 : memref<128x128xf32, #tpu.memory_space<vmem>>) dst(%dma_wait3A_499 : memref<128x128xf32, #tpu.memory_space<hbm>>)
      %dma_start3A_500 = arith.constant 896 : i32
      %dma_start3A_501 = tpu.memref_slice %arg6[%dma_start3A_500] : memref<1024xi32, #tpu.memory_space<vmem>> -> memref<128xi32, #tpu.memory_space<vmem>>
      %dma_start3A_502 = arith.constant 0 : i32
      %dma_start3A_503 = arith.constant 0 : i32
      %dma_start3A_504 = tpu.memref_slice %arg2[%dma_start3A_502, %dma_start3A_503] : memref<1000000x128xf32, #tpu.memory_space<hbm>> -> memref<1000000x128xf32, #tpu.memory_space<hbm>>
      tpu.enqueue_indirect_dma source(%dma_start3A_504 : memref<1000000x128xf32, #tpu.memory_space<hbm>>) target(%arg10 : memref<128x128xf32, #tpu.memory_space<vmem>>) offsets(%dma_start3A_501 : memref<128xi32, #tpu.memory_space<vmem>>) semaphore(%arg16 : memref<!tpu.dma_semaphore, #tpu.memory_space<semaphore_mem>>)
      %dma_wait3A_505 = arith.constant 640 : i32
      %dma_wait3A_506 = tpu.memref_slice %arg6[%dma_wait3A_505] : memref<1024xi32, #tpu.memory_space<vmem>> -> memref<128xi32, #tpu.memory_space<vmem>>
      %dma_wait3A_507 = arith.constant 0 : i32
      %dma_wait3A_508 = arith.constant 0 : i32
      %dma_wait3A_509 = tpu.memref_slice %arg2[%dma_wait3A_507, %dma_wait3A_508] : memref<1000000x128xf32, #tpu.memory_space<hbm>> -> memref<1000000x128xf32, #tpu.memory_space<hbm>>
      tpu.wait_indirect_dma semaphore(%arg14 : memref<!tpu.dma_semaphore, #tpu.memory_space<semaphore_mem>>) src(%dma_wait3A_509 : memref<1000000x128xf32, #tpu.memory_space<hbm>>) dst(%arg8 : memref<128x128xf32, #tpu.memory_space<vmem>>)
      %mul3A_510 = arith.constant 1024 : i32
      %mul3A_511 = arith.muli %add3A_253, %mul3A_510 : i32
      %add3A_512 = arith.addi %multiple_of3A, %mul3A_511 : i32
      %add3A_513 = arith.constant 640 : i32
      %add3A_514 = arith.addi %add3A_512, %add3A_513 : i32
      %multiple_of3A_515 = tpu.assume_multiple %add3A_514, 8 : i32
      %dma_start3A_516 = arith.constant 0 : i32
      %dma_start3A_517 = tpu.memref_slice %arg4[%multiple_of3A_515, %dma_start3A_516] : memref<819200x128xf32, #tpu.memory_space<hbm>> -> memref<128x128xf32, #tpu.memory_space<hbm>>
      %dma_start3A_518 = arith.constant 0 : i32
      %dma_start3A_519 = tpu.memref_slice %arg4[%multiple_of3A_515, %dma_start3A_518] : memref<819200x128xf32, #tpu.memory_space<hbm>> -> memref<128x128xf32, #tpu.memory_space<hbm>>
      tpu.enqueue_dma source(%arg8 : memref<128x128xf32, #tpu.memory_space<vmem>>) target(%dma_start3A_519 : memref<128x128xf32, #tpu.memory_space<hbm>>) target_semaphore(%arg18 : memref<!tpu.dma_semaphore, #tpu.memory_space<semaphore_mem>>)
      %add3A_520 = arith.constant 1 : i32
      %add3A_521 = arith.addi %add3A_253, %add3A_520 : i32
      %sub3A_522 = arith.constant 1 : i32
      %sub3A_523 = arith.subi %add3A_521, %sub3A_522 : i32
      %mul3A_524 = arith.constant 1024 : i32
      %mul3A_525 = arith.muli %sub3A_523, %mul3A_524 : i32
      %add3A_526 = arith.addi %multiple_of3A, %mul3A_525 : i32
      %add3A_527 = arith.constant 512 : i32
      %add3A_528 = arith.addi %add3A_526, %add3A_527 : i32
      %multiple_of3A_529 = tpu.assume_multiple %add3A_528, 8 : i32
      %dma_wait3A_530 = arith.constant 0 : i32
      %dma_wait3A_531 = tpu.memref_slice %arg4[%multiple_of3A_529, %dma_wait3A_530] : memref<819200x128xf32, #tpu.memory_space<hbm>> -> memref<128x128xf32, #tpu.memory_space<hbm>>
      %dma_wait3A_532 = arith.constant 0 : i32
      %dma_wait3A_533 = tpu.memref_slice %arg4[%multiple_of3A_529, %dma_wait3A_532] : memref<819200x128xf32, #tpu.memory_space<hbm>> -> memref<128x128xf32, #tpu.memory_space<hbm>>
      tpu.wait_dma2 semaphore(%arg17 : memref<!tpu.dma_semaphore, #tpu.memory_space<semaphore_mem>>) src(%arg7 : memref<128x128xf32, #tpu.memory_space<vmem>>) dst(%dma_wait3A_533 : memref<128x128xf32, #tpu.memory_space<hbm>>)
      %mul3A_534 = arith.constant 1024 : i32
      %mul3A_535 = arith.muli %add3A_521, %mul3A_534 : i32
      %add3A_536 = arith.addi %multiple_of3A, %mul3A_535 : i32
      %multiple_of3A_537 = tpu.assume_multiple %add3A_536, 1024 : i32
      %dma_wait3A_538 = tpu.memref_slice %arg3[%multiple_of3A_537] : memref<819200xi32, #tpu.memory_space<hbm>> -> memref<1024xi32, #tpu.memory_space<hbm>>
      %dma_wait3A_539 = tpu.memref_slice %arg3[%multiple_of3A_537] : memref<819200xi32, #tpu.memory_space<hbm>> -> memref<1024xi32, #tpu.memory_space<hbm>>
      tpu.wait_dma2 semaphore(%arg11 : memref<!tpu.dma_semaphore, #tpu.memory_space<semaphore_mem>>) src(%dma_wait3A_539 : memref<1024xi32, #tpu.memory_space<hbm>>) dst(%arg5 : memref<1024xi32, #tpu.memory_space<vmem>>)
      %dma_start3A_540 = arith.constant 0 : i32
      %dma_start3A_541 = tpu.memref_slice %arg5[%dma_start3A_540] : memref<1024xi32, #tpu.memory_space<vmem>> -> memref<128xi32, #tpu.memory_space<vmem>>
      %dma_start3A_542 = arith.constant 0 : i32
      %dma_start3A_543 = arith.constant 0 : i32
      %dma_start3A_544 = tpu.memref_slice %arg2[%dma_start3A_542, %dma_start3A_543] : memref<1000000x128xf32, #tpu.memory_space<hbm>> -> memref<1000000x128xf32, #tpu.memory_space<hbm>>
      tpu.enqueue_indirect_dma source(%dma_start3A_544 : memref<1000000x128xf32, #tpu.memory_space<hbm>>) target(%arg7 : memref<128x128xf32, #tpu.memory_space<vmem>>) offsets(%dma_start3A_541 : memref<128xi32, #tpu.memory_space<vmem>>) semaphore(%arg13 : memref<!tpu.dma_semaphore, #tpu.memory_space<semaphore_mem>>)
      %dma_wait3A_545 = arith.constant 768 : i32
      %dma_wait3A_546 = tpu.memref_slice %arg6[%dma_wait3A_545] : memref<1024xi32, #tpu.memory_space<vmem>> -> memref<128xi32, #tpu.memory_space<vmem>>
      %dma_wait3A_547 = arith.constant 0 : i32
      %dma_wait3A_548 = arith.constant 0 : i32
      %dma_wait3A_549 = tpu.memref_slice %arg2[%dma_wait3A_547, %dma_wait3A_548] : memref<1000000x128xf32, #tpu.memory_space<hbm>> -> memref<1000000x128xf32, #tpu.memory_space<hbm>>
      tpu.wait_indirect_dma semaphore(%arg15 : memref<!tpu.dma_semaphore, #tpu.memory_space<semaphore_mem>>) src(%dma_wait3A_549 : memref<1000000x128xf32, #tpu.memory_space<hbm>>) dst(%arg9 : memref<128x128xf32, #tpu.memory_space<vmem>>)
      %sub3A_550 = arith.constant 1 : i32
      %sub3A_551 = arith.subi %add3A_521, %sub3A_550 : i32
      %mul3A_552 = arith.constant 1024 : i32
      %mul3A_553 = arith.muli %sub3A_551, %mul3A_552 : i32
      %add3A_554 = arith.addi %multiple_of3A, %mul3A_553 : i32
      %add3A_555 = arith.constant 768 : i32
      %add3A_556 = arith.addi %add3A_554, %add3A_555 : i32
      %multiple_of3A_557 = tpu.assume_multiple %add3A_556, 8 : i32
      %dma_start3A_558 = arith.constant 0 : i32
      %dma_start3A_559 = tpu.memref_slice %arg4[%multiple_of3A_557, %dma_start3A_558] : memref<819200x128xf32, #tpu.memory_space<hbm>> -> memref<128x128xf32, #tpu.memory_space<hbm>>
      %dma_start3A_560 = arith.constant 0 : i32
      %dma_start3A_561 = tpu.memref_slice %arg4[%multiple_of3A_557, %dma_start3A_560] : memref<819200x128xf32, #tpu.memory_space<hbm>> -> memref<128x128xf32, #tpu.memory_space<hbm>>
      tpu.enqueue_dma source(%arg9 : memref<128x128xf32, #tpu.memory_space<vmem>>) target(%dma_start3A_561 : memref<128x128xf32, #tpu.memory_space<hbm>>) target_semaphore(%arg19 : memref<!tpu.dma_semaphore, #tpu.memory_space<semaphore_mem>>)
      %sub3A_562 = arith.constant 1 : i32
      %sub3A_563 = arith.subi %add3A_521, %sub3A_562 : i32
      %mul3A_564 = arith.constant 1024 : i32
      %mul3A_565 = arith.muli %sub3A_563, %mul3A_564 : i32
      %add3A_566 = arith.addi %multiple_of3A, %mul3A_565 : i32
      %add3A_567 = arith.constant 640 : i32
      %add3A_568 = arith.addi %add3A_566, %add3A_567 : i32
      %multiple_of3A_569 = tpu.assume_multiple %add3A_568, 8 : i32
      %dma_wait3A_570 = arith.constant 0 : i32
      %dma_wait3A_571 = tpu.memref_slice %arg4[%multiple_of3A_569, %dma_wait3A_570] : memref<819200x128xf32, #tpu.memory_space<hbm>> -> memref<128x128xf32, #tpu.memory_space<hbm>>
      %dma_wait3A_572 = arith.constant 0 : i32
      %dma_wait3A_573 = tpu.memref_slice %arg4[%multiple_of3A_569, %dma_wait3A_572] : memref<819200x128xf32, #tpu.memory_space<hbm>> -> memref<128x128xf32, #tpu.memory_space<hbm>>
      tpu.wait_dma2 semaphore(%arg18 : memref<!tpu.dma_semaphore, #tpu.memory_space<semaphore_mem>>) src(%arg8 : memref<128x128xf32, #tpu.memory_space<vmem>>) dst(%dma_wait3A_573 : memref<128x128xf32, #tpu.memory_space<hbm>>)
      %dma_start3A_574 = arith.constant 128 : i32
      %dma_start3A_575 = tpu.memref_slice %arg5[%dma_start3A_574] : memref<1024xi32, #tpu.memory_space<vmem>> -> memref<128xi32, #tpu.memory_space<vmem>>
      %dma_start3A_576 = arith.constant 0 : i32
      %dma_start3A_577 = arith.constant 0 : i32
      %dma_start3A_578 = tpu.memref_slice %arg2[%dma_start3A_576, %dma_start3A_577] : memref<1000000x128xf32, #tpu.memory_space<hbm>> -> memref<1000000x128xf32, #tpu.memory_space<hbm>>
      tpu.enqueue_indirect_dma source(%dma_start3A_578 : memref<1000000x128xf32, #tpu.memory_space<hbm>>) target(%arg8 : memref<128x128xf32, #tpu.memory_space<vmem>>) offsets(%dma_start3A_575 : memref<128xi32, #tpu.memory_space<vmem>>) semaphore(%arg14 : memref<!tpu.dma_semaphore, #tpu.memory_space<semaphore_mem>>)
      %dma_wait3A_579 = arith.constant 896 : i32
      %dma_wait3A_580 = tpu.memref_slice %arg6[%dma_wait3A_579] : memref<1024xi32, #tpu.memory_space<vmem>> -> memref<128xi32, #tpu.memory_space<vmem>>
      %dma_wait3A_581 = arith.constant 0 : i32
      %dma_wait3A_582 = arith.constant 0 : i32
      %dma_wait3A_583 = tpu.memref_slice %arg2[%dma_wait3A_581, %dma_wait3A_582] : memref<1000000x128xf32, #tpu.memory_space<hbm>> -> memref<1000000x128xf32, #tpu.memory_space<hbm>>
      tpu.wait_indirect_dma semaphore(%arg16 : memref<!tpu.dma_semaphore, #tpu.memory_space<semaphore_mem>>) src(%dma_wait3A_583 : memref<1000000x128xf32, #tpu.memory_space<hbm>>) dst(%arg10 : memref<128x128xf32, #tpu.memory_space<vmem>>)
      %sub3A_584 = arith.constant 1 : i32
      %sub3A_585 = arith.subi %add3A_521, %sub3A_584 : i32
      %mul3A_586 = arith.constant 1024 : i32
      %mul3A_587 = arith.muli %sub3A_585, %mul3A_586 : i32
      %add3A_588 = arith.addi %multiple_of3A, %mul3A_587 : i32
      %add3A_589 = arith.constant 896 : i32
      %add3A_590 = arith.addi %add3A_588, %add3A_589 : i32
      %multiple_of3A_591 = tpu.assume_multiple %add3A_590, 8 : i32
      %dma_start3A_592 = arith.constant 0 : i32
      %dma_start3A_593 = tpu.memref_slice %arg4[%multiple_of3A_591, %dma_start3A_592] : memref<819200x128xf32, #tpu.memory_space<hbm>> -> memref<128x128xf32, #tpu.memory_space<hbm>>
      %dma_start3A_594 = arith.constant 0 : i32
      %dma_start3A_595 = tpu.memref_slice %arg4[%multiple_of3A_591, %dma_start3A_594] : memref<819200x128xf32, #tpu.memory_space<hbm>> -> memref<128x128xf32, #tpu.memory_space<hbm>>
      tpu.enqueue_dma source(%arg10 : memref<128x128xf32, #tpu.memory_space<vmem>>) target(%dma_start3A_595 : memref<128x128xf32, #tpu.memory_space<hbm>>) target_semaphore(%arg20 : memref<!tpu.dma_semaphore, #tpu.memory_space<semaphore_mem>>)
      %add3A_596 = arith.constant 1 : i32
      %add3A_597 = arith.addi %add3A_521, %add3A_596 : i32
      %min3A_598 = arith.constant 24 : i32
      %min3A_599 = arith.minsi %add3A_597, %min3A_598 : i32
      %mul3A_600 = arith.constant 1024 : i32
      %mul3A_601 = arith.muli %min3A_599, %mul3A_600 : i32
      %add3A_602 = arith.addi %multiple_of3A, %mul3A_601 : i32
      %multiple_of3A_603 = tpu.assume_multiple %add3A_602, 1024 : i32
      %dma_start3A_604 = tpu.memref_slice %arg3[%multiple_of3A_603] : memref<819200xi32, #tpu.memory_space<hbm>> -> memref<1024xi32, #tpu.memory_space<hbm>>
      %dma_start3A_605 = tpu.memref_slice %arg3[%multiple_of3A_603] : memref<819200xi32, #tpu.memory_space<hbm>> -> memref<1024xi32, #tpu.memory_space<hbm>>
      tpu.enqueue_dma source(%dma_start3A_605 : memref<1024xi32, #tpu.memory_space<hbm>>) target(%arg6 : memref<1024xi32, #tpu.memory_space<vmem>>) target_semaphore(%arg12 : memref<!tpu.dma_semaphore, #tpu.memory_space<semaphore_mem>>)
      %sub3A_606 = arith.constant 1 : i32
      %sub3A_607 = arith.subi %add3A_521, %sub3A_606 : i32
      %mul3A_608 = arith.constant 1024 : i32
      %mul3A_609 = arith.muli %sub3A_607, %mul3A_608 : i32
      %add3A_610 = arith.addi %multiple_of3A, %mul3A_609 : i32
      %add3A_611 = arith.constant 768 : i32
      %add3A_612 = arith.addi %add3A_610, %add3A_611 : i32
      %multiple_of3A_613 = tpu.assume_multiple %add3A_612, 8 : i32
      %dma_wait3A_614 = arith.constant 0 : i32
      %dma_wait3A_615 = tpu.memref_slice %arg4[%multiple_of3A_613, %dma_wait3A_614] : memref<819200x128xf32, #tpu.memory_space<hbm>> -> memref<128x128xf32, #tpu.memory_space<hbm>>
      %dma_wait3A_616 = arith.constant 0 : i32
      %dma_wait3A_617 = tpu.memref_slice %arg4[%multiple_of3A_613, %dma_wait3A_616] : memref<819200x128xf32, #tpu.memory_space<hbm>> -> memref<128x128xf32, #tpu.memory_space<hbm>>
      tpu.wait_dma2 semaphore(%arg19 : memref<!tpu.dma_semaphore, #tpu.memory_space<semaphore_mem>>) src(%arg9 : memref<128x128xf32, #tpu.memory_space<vmem>>) dst(%dma_wait3A_617 : memref<128x128xf32, #tpu.memory_space<hbm>>)
      %dma_start3A_618 = arith.constant 256 : i32
      %dma_start3A_619 = tpu.memref_slice %arg5[%dma_start3A_618] : memref<1024xi32, #tpu.memory_space<vmem>> -> memref<128xi32, #tpu.memory_space<vmem>>
      %dma_start3A_620 = arith.constant 0 : i32
      %dma_start3A_621 = arith.constant 0 : i32
      %dma_start3A_622 = tpu.memref_slice %arg2[%dma_start3A_620, %dma_start3A_621] : memref<1000000x128xf32, #tpu.memory_space<hbm>> -> memref<1000000x128xf32, #tpu.memory_space<hbm>>
      tpu.enqueue_indirect_dma source(%dma_start3A_622 : memref<1000000x128xf32, #tpu.memory_space<hbm>>) target(%arg9 : memref<128x128xf32, #tpu.memory_space<vmem>>) offsets(%dma_start3A_619 : memref<128xi32, #tpu.memory_space<vmem>>) semaphore(%arg15 : memref<!tpu.dma_semaphore, #tpu.memory_space<semaphore_mem>>)
      %dma_wait3A_623 = arith.constant 0 : i32
      %dma_wait3A_624 = tpu.memref_slice %arg5[%dma_wait3A_623] : memref<1024xi32, #tpu.memory_space<vmem>> -> memref<128xi32, #tpu.memory_space<vmem>>
      %dma_wait3A_625 = arith.constant 0 : i32
      %dma_wait3A_626 = arith.constant 0 : i32
      %dma_wait3A_627 = tpu.memref_slice %arg2[%dma_wait3A_625, %dma_wait3A_626] : memref<1000000x128xf32, #tpu.memory_space<hbm>> -> memref<1000000x128xf32, #tpu.memory_space<hbm>>
      tpu.wait_indirect_dma semaphore(%arg13 : memref<!tpu.dma_semaphore, #tpu.memory_space<semaphore_mem>>) src(%dma_wait3A_627 : memref<1000000x128xf32, #tpu.memory_space<hbm>>) dst(%arg7 : memref<128x128xf32, #tpu.memory_space<vmem>>)
      %mul3A_628 = arith.constant 1024 : i32
      %mul3A_629 = arith.muli %add3A_521, %mul3A_628 : i32
      %add3A_630 = arith.addi %multiple_of3A, %mul3A_629 : i32
      %add3A_631 = arith.constant 0 : i32
      %add3A_632 = arith.addi %add3A_630, %add3A_631 : i32
      %multiple_of3A_633 = tpu.assume_multiple %add3A_632, 8 : i32
      %dma_start3A_634 = arith.constant 0 : i32
      %dma_start3A_635 = tpu.memref_slice %arg4[%multiple_of3A_633, %dma_start3A_634] : memref<819200x128xf32, #tpu.memory_space<hbm>> -> memref<128x128xf32, #tpu.memory_space<hbm>>
      %dma_start3A_636 = arith.constant 0 : i32
      %dma_start3A_637 = tpu.memref_slice %arg4[%multiple_of3A_633, %dma_start3A_636] : memref<819200x128xf32, #tpu.memory_space<hbm>> -> memref<128x128xf32, #tpu.memory_space<hbm>>
      tpu.enqueue_dma source(%arg7 : memref<128x128xf32, #tpu.memory_space<vmem>>) target(%dma_start3A_637 : memref<128x128xf32, #tpu.memory_space<hbm>>) target_semaphore(%arg17 : memref<!tpu.dma_semaphore, #tpu.memory_space<semaphore_mem>>)
      %sub3A_638 = arith.constant 1 : i32
      %sub3A_639 = arith.subi %add3A_521, %sub3A_638 : i32
      %mul3A_640 = arith.constant 1024 : i32
      %mul3A_641 = arith.muli %sub3A_639, %mul3A_640 : i32
      %add3A_642 = arith.addi %multiple_of3A, %mul3A_641 : i32
      %add3A_643 = arith.constant 896 : i32
      %add3A_644 = arith.addi %add3A_642, %add3A_643 : i32
      %multiple_of3A_645 = tpu.assume_multiple %add3A_644, 8 : i32
      %dma_wait3A_646 = arith.constant 0 : i32
      %dma_wait3A_647 = tpu.memref_slice %arg4[%multiple_of3A_645, %dma_wait3A_646] : memref<819200x128xf32, #tpu.memory_space<hbm>> -> memref<128x128xf32, #tpu.memory_space<hbm>>
      %dma_wait3A_648 = arith.constant 0 : i32
      %dma_wait3A_649 = tpu.memref_slice %arg4[%multiple_of3A_645, %dma_wait3A_648] : memref<819200x128xf32, #tpu.memory_space<hbm>> -> memref<128x128xf32, #tpu.memory_space<hbm>>
      tpu.wait_dma2 semaphore(%arg20 : memref<!tpu.dma_semaphore, #tpu.memory_space<semaphore_mem>>) src(%arg10 : memref<128x128xf32, #tpu.memory_space<vmem>>) dst(%dma_wait3A_649 : memref<128x128xf32, #tpu.memory_space<hbm>>)
      %dma_start3A_650 = arith.constant 384 : i32
      %dma_start3A_651 = tpu.memref_slice %arg5[%dma_start3A_650] : memref<1024xi32, #tpu.memory_space<vmem>> -> memref<128xi32, #tpu.memory_space<vmem>>
      %dma_start3A_652 = arith.constant 0 : i32
      %dma_start3A_653 = arith.constant 0 : i32
      %dma_start3A_654 = tpu.memref_slice %arg2[%dma_start3A_652, %dma_start3A_653] : memref<1000000x128xf32, #tpu.memory_space<hbm>> -> memref<1000000x128xf32, #tpu.memory_space<hbm>>
      tpu.enqueue_indirect_dma source(%dma_start3A_654 : memref<1000000x128xf32, #tpu.memory_space<hbm>>) target(%arg10 : memref<128x128xf32, #tpu.memory_space<vmem>>) offsets(%dma_start3A_651 : memref<128xi32, #tpu.memory_space<vmem>>) semaphore(%arg16 : memref<!tpu.dma_semaphore, #tpu.memory_space<semaphore_mem>>)
      %dma_wait3A_655 = arith.constant 128 : i32
      %dma_wait3A_656 = tpu.memref_slice %arg5[%dma_wait3A_655] : memref<1024xi32, #tpu.memory_space<vmem>> -> memref<128xi32, #tpu.memory_space<vmem>>
      %dma_wait3A_657 = arith.constant 0 : i32
      %dma_wait3A_658 = arith.constant 0 : i32
      %dma_wait3A_659 = tpu.memref_slice %arg2[%dma_wait3A_657, %dma_wait3A_658] : memref<1000000x128xf32, #tpu.memory_space<hbm>> -> memref<1000000x128xf32, #tpu.memory_space<hbm>>
      tpu.wait_indirect_dma semaphore(%arg14 : memref<!tpu.dma_semaphore, #tpu.memory_space<semaphore_mem>>) src(%dma_wait3A_659 : memref<1000000x128xf32, #tpu.memory_space<hbm>>) dst(%arg8 : memref<128x128xf32, #tpu.memory_space<vmem>>)
      %mul3A_660 = arith.constant 1024 : i32
      %mul3A_661 = arith.muli %add3A_521, %mul3A_660 : i32
      %add3A_662 = arith.addi %multiple_of3A, %mul3A_661 : i32
      %add3A_663 = arith.constant 128 : i32
      %add3A_664 = arith.addi %add3A_662, %add3A_663 : i32
      %multiple_of3A_665 = tpu.assume_multiple %add3A_664, 8 : i32
      %dma_start3A_666 = arith.constant 0 : i32
      %dma_start3A_667 = tpu.memref_slice %arg4[%multiple_of3A_665, %dma_start3A_666] : memref<819200x128xf32, #tpu.memory_space<hbm>> -> memref<128x128xf32, #tpu.memory_space<hbm>>
      %dma_start3A_668 = arith.constant 0 : i32
      %dma_start3A_669 = tpu.memref_slice %arg4[%multiple_of3A_665, %dma_start3A_668] : memref<819200x128xf32, #tpu.memory_space<hbm>> -> memref<128x128xf32, #tpu.memory_space<hbm>>
      tpu.enqueue_dma source(%arg8 : memref<128x128xf32, #tpu.memory_space<vmem>>) target(%dma_start3A_669 : memref<128x128xf32, #tpu.memory_space<hbm>>) target_semaphore(%arg18 : memref<!tpu.dma_semaphore, #tpu.memory_space<semaphore_mem>>)
      %mul3A_670 = arith.constant 1024 : i32
      %mul3A_671 = arith.muli %add3A_521, %mul3A_670 : i32
      %add3A_672 = arith.addi %multiple_of3A, %mul3A_671 : i32
      %add3A_673 = arith.constant 0 : i32
      %add3A_674 = arith.addi %add3A_672, %add3A_673 : i32
      %multiple_of3A_675 = tpu.assume_multiple %add3A_674, 8 : i32
      %dma_wait3A_676 = arith.constant 0 : i32
      %dma_wait3A_677 = tpu.memref_slice %arg4[%multiple_of3A_675, %dma_wait3A_676] : memref<819200x128xf32, #tpu.memory_space<hbm>> -> memref<128x128xf32, #tpu.memory_space<hbm>>
      %dma_wait3A_678 = arith.constant 0 : i32
      %dma_wait3A_679 = tpu.memref_slice %arg4[%multiple_of3A_675, %dma_wait3A_678] : memref<819200x128xf32, #tpu.memory_space<hbm>> -> memref<128x128xf32, #tpu.memory_space<hbm>>
      tpu.wait_dma2 semaphore(%arg17 : memref<!tpu.dma_semaphore, #tpu.memory_space<semaphore_mem>>) src(%arg7 : memref<128x128xf32, #tpu.memory_space<vmem>>) dst(%dma_wait3A_679 : memref<128x128xf32, #tpu.memory_space<hbm>>)
      %dma_start3A_680 = arith.constant 512 : i32
      %dma_start3A_681 = tpu.memref_slice %arg5[%dma_start3A_680] : memref<1024xi32, #tpu.memory_space<vmem>> -> memref<128xi32, #tpu.memory_space<vmem>>
      %dma_start3A_682 = arith.constant 0 : i32
      %dma_start3A_683 = arith.constant 0 : i32
      %dma_start3A_684 = tpu.memref_slice %arg2[%dma_start3A_682, %dma_start3A_683] : memref<1000000x128xf32, #tpu.memory_space<hbm>> -> memref<1000000x128xf32, #tpu.memory_space<hbm>>
      tpu.enqueue_indirect_dma source(%dma_start3A_684 : memref<1000000x128xf32, #tpu.memory_space<hbm>>) target(%arg7 : memref<128x128xf32, #tpu.memory_space<vmem>>) offsets(%dma_start3A_681 : memref<128xi32, #tpu.memory_space<vmem>>) semaphore(%arg13 : memref<!tpu.dma_semaphore, #tpu.memory_space<semaphore_mem>>)
      %dma_wait3A_685 = arith.constant 256 : i32
      %dma_wait3A_686 = tpu.memref_slice %arg5[%dma_wait3A_685] : memref<1024xi32, #tpu.memory_space<vmem>> -> memref<128xi32, #tpu.memory_space<vmem>>
      %dma_wait3A_687 = arith.constant 0 : i32
      %dma_wait3A_688 = arith.constant 0 : i32
      %dma_wait3A_689 = tpu.memref_slice %arg2[%dma_wait3A_687, %dma_wait3A_688] : memref<1000000x128xf32, #tpu.memory_space<hbm>> -> memref<1000000x128xf32, #tpu.memory_space<hbm>>
      tpu.wait_indirect_dma semaphore(%arg15 : memref<!tpu.dma_semaphore, #tpu.memory_space<semaphore_mem>>) src(%dma_wait3A_689 : memref<1000000x128xf32, #tpu.memory_space<hbm>>) dst(%arg9 : memref<128x128xf32, #tpu.memory_space<vmem>>)
      %mul3A_690 = arith.constant 1024 : i32
      %mul3A_691 = arith.muli %add3A_521, %mul3A_690 : i32
      %add3A_692 = arith.addi %multiple_of3A, %mul3A_691 : i32
      %add3A_693 = arith.constant 256 : i32
      %add3A_694 = arith.addi %add3A_692, %add3A_693 : i32
      %multiple_of3A_695 = tpu.assume_multiple %add3A_694, 8 : i32
      %dma_start3A_696 = arith.constant 0 : i32
      %dma_start3A_697 = tpu.memref_slice %arg4[%multiple_of3A_695, %dma_start3A_696] : memref<819200x128xf32, #tpu.memory_space<hbm>> -> memref<128x128xf32, #tpu.memory_space<hbm>>
      %dma_start3A_698 = arith.constant 0 : i32
      %dma_start3A_699 = tpu.memref_slice %arg4[%multiple_of3A_695, %dma_start3A_698] : memref<819200x128xf32, #tpu.memory_space<hbm>> -> memref<128x128xf32, #tpu.memory_space<hbm>>
      tpu.enqueue_dma source(%arg9 : memref<128x128xf32, #tpu.memory_space<vmem>>) target(%dma_start3A_699 : memref<128x128xf32, #tpu.memory_space<hbm>>) target_semaphore(%arg19 : memref<!tpu.dma_semaphore, #tpu.memory_space<semaphore_mem>>)
      %mul3A_700 = arith.constant 1024 : i32
      %mul3A_701 = arith.muli %add3A_521, %mul3A_700 : i32
      %add3A_702 = arith.addi %multiple_of3A, %mul3A_701 : i32
      %add3A_703 = arith.constant 128 : i32
      %add3A_704 = arith.addi %add3A_702, %add3A_703 : i32
      %multiple_of3A_705 = tpu.assume_multiple %add3A_704, 8 : i32
      %dma_wait3A_706 = arith.constant 0 : i32
      %dma_wait3A_707 = tpu.memref_slice %arg4[%multiple_of3A_705, %dma_wait3A_706] : memref<819200x128xf32, #tpu.memory_space<hbm>> -> memref<128x128xf32, #tpu.memory_space<hbm>>
      %dma_wait3A_708 = arith.constant 0 : i32
      %dma_wait3A_709 = tpu.memref_slice %arg4[%multiple_of3A_705, %dma_wait3A_708] : memref<819200x128xf32, #tpu.memory_space<hbm>> -> memref<128x128xf32, #tpu.memory_space<hbm>>
      tpu.wait_dma2 semaphore(%arg18 : memref<!tpu.dma_semaphore, #tpu.memory_space<semaphore_mem>>) src(%arg8 : memref<128x128xf32, #tpu.memory_space<vmem>>) dst(%dma_wait3A_709 : memref<128x128xf32, #tpu.memory_space<hbm>>)
      %dma_start3A_710 = arith.constant 640 : i32
      %dma_start3A_711 = tpu.memref_slice %arg5[%dma_start3A_710] : memref<1024xi32, #tpu.memory_space<vmem>> -> memref<128xi32, #tpu.memory_space<vmem>>
      %dma_start3A_712 = arith.constant 0 : i32
      %dma_start3A_713 = arith.constant 0 : i32
      %dma_start3A_714 = tpu.memref_slice %arg2[%dma_start3A_712, %dma_start3A_713] : memref<1000000x128xf32, #tpu.memory_space<hbm>> -> memref<1000000x128xf32, #tpu.memory_space<hbm>>
      tpu.enqueue_indirect_dma source(%dma_start3A_714 : memref<1000000x128xf32, #tpu.memory_space<hbm>>) target(%arg8 : memref<128x128xf32, #tpu.memory_space<vmem>>) offsets(%dma_start3A_711 : memref<128xi32, #tpu.memory_space<vmem>>) semaphore(%arg14 : memref<!tpu.dma_semaphore, #tpu.memory_space<semaphore_mem>>)
      %dma_wait3A_715 = arith.constant 384 : i32
      %dma_wait3A_716 = tpu.memref_slice %arg5[%dma_wait3A_715] : memref<1024xi32, #tpu.memory_space<vmem>> -> memref<128xi32, #tpu.memory_space<vmem>>
      %dma_wait3A_717 = arith.constant 0 : i32
      %dma_wait3A_718 = arith.constant 0 : i32
      %dma_wait3A_719 = tpu.memref_slice %arg2[%dma_wait3A_717, %dma_wait3A_718] : memref<1000000x128xf32, #tpu.memory_space<hbm>> -> memref<1000000x128xf32, #tpu.memory_space<hbm>>
      tpu.wait_indirect_dma semaphore(%arg16 : memref<!tpu.dma_semaphore, #tpu.memory_space<semaphore_mem>>) src(%dma_wait3A_719 : memref<1000000x128xf32, #tpu.memory_space<hbm>>) dst(%arg10 : memref<128x128xf32, #tpu.memory_space<vmem>>)
      %mul3A_720 = arith.constant 1024 : i32
      %mul3A_721 = arith.muli %add3A_521, %mul3A_720 : i32
      %add3A_722 = arith.addi %multiple_of3A, %mul3A_721 : i32
      %add3A_723 = arith.constant 384 : i32
      %add3A_724 = arith.addi %add3A_722, %add3A_723 : i32
      %multiple_of3A_725 = tpu.assume_multiple %add3A_724, 8 : i32
      %dma_start3A_726 = arith.constant 0 : i32
      %dma_start3A_727 = tpu.memref_slice %arg4[%multiple_of3A_725, %dma_start3A_726] : memref<819200x128xf32, #tpu.memory_space<hbm>> -> memref<128x128xf32, #tpu.memory_space<hbm>>
      %dma_start3A_728 = arith.constant 0 : i32
      %dma_start3A_729 = tpu.memref_slice %arg4[%multiple_of3A_725, %dma_start3A_728] : memref<819200x128xf32, #tpu.memory_space<hbm>> -> memref<128x128xf32, #tpu.memory_space<hbm>>
      tpu.enqueue_dma source(%arg10 : memref<128x128xf32, #tpu.memory_space<vmem>>) target(%dma_start3A_729 : memref<128x128xf32, #tpu.memory_space<hbm>>) target_semaphore(%arg20 : memref<!tpu.dma_semaphore, #tpu.memory_space<semaphore_mem>>)
      %mul3A_730 = arith.constant 1024 : i32
      %mul3A_731 = arith.muli %add3A_521, %mul3A_730 : i32
      %add3A_732 = arith.addi %multiple_of3A, %mul3A_731 : i32
      %add3A_733 = arith.constant 256 : i32
      %add3A_734 = arith.addi %add3A_732, %add3A_733 : i32
      %multiple_of3A_735 = tpu.assume_multiple %add3A_734, 8 : i32
      %dma_wait3A_736 = arith.constant 0 : i32
      %dma_wait3A_737 = tpu.memref_slice %arg4[%multiple_of3A_735, %dma_wait3A_736] : memref<819200x128xf32, #tpu.memory_space<hbm>> -> memref<128x128xf32, #tpu.memory_space<hbm>>
      %dma_wait3A_738 = arith.constant 0 : i32
      %dma_wait3A_739 = tpu.memref_slice %arg4[%multiple_of3A_735, %dma_wait3A_738] : memref<819200x128xf32, #tpu.memory_space<hbm>> -> memref<128x128xf32, #tpu.memory_space<hbm>>
      tpu.wait_dma2 semaphore(%arg19 : memref<!tpu.dma_semaphore, #tpu.memory_space<semaphore_mem>>) src(%arg9 : memref<128x128xf32, #tpu.memory_space<vmem>>) dst(%dma_wait3A_739 : memref<128x128xf32, #tpu.memory_space<hbm>>)
      %dma_start3A_740 = arith.constant 768 : i32
      %dma_start3A_741 = tpu.memref_slice %arg5[%dma_start3A_740] : memref<1024xi32, #tpu.memory_space<vmem>> -> memref<128xi32, #tpu.memory_space<vmem>>
      %dma_start3A_742 = arith.constant 0 : i32
      %dma_start3A_743 = arith.constant 0 : i32
      %dma_start3A_744 = tpu.memref_slice %arg2[%dma_start3A_742, %dma_start3A_743] : memref<1000000x128xf32, #tpu.memory_space<hbm>> -> memref<1000000x128xf32, #tpu.memory_space<hbm>>
      tpu.enqueue_indirect_dma source(%dma_start3A_744 : memref<1000000x128xf32, #tpu.memory_space<hbm>>) target(%arg9 : memref<128x128xf32, #tpu.memory_space<vmem>>) offsets(%dma_start3A_741 : memref<128xi32, #tpu.memory_space<vmem>>) semaphore(%arg15 : memref<!tpu.dma_semaphore, #tpu.memory_space<semaphore_mem>>)
      %dma_wait3A_745 = arith.constant 512 : i32
      %dma_wait3A_746 = tpu.memref_slice %arg5[%dma_wait3A_745] : memref<1024xi32, #tpu.memory_space<vmem>> -> memref<128xi32, #tpu.memory_space<vmem>>
      %dma_wait3A_747 = arith.constant 0 : i32
      %dma_wait3A_748 = arith.constant 0 : i32
      %dma_wait3A_749 = tpu.memref_slice %arg2[%dma_wait3A_747, %dma_wait3A_748] : memref<1000000x128xf32, #tpu.memory_space<hbm>> -> memref<1000000x128xf32, #tpu.memory_space<hbm>>
      tpu.wait_indirect_dma semaphore(%arg13 : memref<!tpu.dma_semaphore, #tpu.memory_space<semaphore_mem>>) src(%dma_wait3A_749 : memref<1000000x128xf32, #tpu.memory_space<hbm>>) dst(%arg7 : memref<128x128xf32, #tpu.memory_space<vmem>>)
      %mul3A_750 = arith.constant 1024 : i32
      %mul3A_751 = arith.muli %add3A_521, %mul3A_750 : i32
      %add3A_752 = arith.addi %multiple_of3A, %mul3A_751 : i32
      %add3A_753 = arith.constant 512 : i32
      %add3A_754 = arith.addi %add3A_752, %add3A_753 : i32
      %multiple_of3A_755 = tpu.assume_multiple %add3A_754, 8 : i32
      %dma_start3A_756 = arith.constant 0 : i32
      %dma_start3A_757 = tpu.memref_slice %arg4[%multiple_of3A_755, %dma_start3A_756] : memref<819200x128xf32, #tpu.memory_space<hbm>> -> memref<128x128xf32, #tpu.memory_space<hbm>>
      %dma_start3A_758 = arith.constant 0 : i32
      %dma_start3A_759 = tpu.memref_slice %arg4[%multiple_of3A_755, %dma_start3A_758] : memref<819200x128xf32, #tpu.memory_space<hbm>> -> memref<128x128xf32, #tpu.memory_space<hbm>>
      tpu.enqueue_dma source(%arg7 : memref<128x128xf32, #tpu.memory_space<vmem>>) target(%dma_start3A_759 : memref<128x128xf32, #tpu.memory_space<hbm>>) target_semaphore(%arg17 : memref<!tpu.dma_semaphore, #tpu.memory_space<semaphore_mem>>)
      %mul3A_760 = arith.constant 1024 : i32
      %mul3A_761 = arith.muli %add3A_521, %mul3A_760 : i32
      %add3A_762 = arith.addi %multiple_of3A, %mul3A_761 : i32
      %add3A_763 = arith.constant 384 : i32
      %add3A_764 = arith.addi %add3A_762, %add3A_763 : i32
      %multiple_of3A_765 = tpu.assume_multiple %add3A_764, 8 : i32
      %dma_wait3A_766 = arith.constant 0 : i32
      %dma_wait3A_767 = tpu.memref_slice %arg4[%multiple_of3A_765, %dma_wait3A_766] : memref<819200x128xf32, #tpu.memory_space<hbm>> -> memref<128x128xf32, #tpu.memory_space<hbm>>
      %dma_wait3A_768 = arith.constant 0 : i32
      %dma_wait3A_769 = tpu.memref_slice %arg4[%multiple_of3A_765, %dma_wait3A_768] : memref<819200x128xf32, #tpu.memory_space<hbm>> -> memref<128x128xf32, #tpu.memory_space<hbm>>
      tpu.wait_dma2 semaphore(%arg20 : memref<!tpu.dma_semaphore, #tpu.memory_space<semaphore_mem>>) src(%arg10 : memref<128x128xf32, #tpu.memory_space<vmem>>) dst(%dma_wait3A_769 : memref<128x128xf32, #tpu.memory_space<hbm>>)
      %dma_start3A_770 = arith.constant 896 : i32
      %dma_start3A_771 = tpu.memref_slice %arg5[%dma_start3A_770] : memref<1024xi32, #tpu.memory_space<vmem>> -> memref<128xi32, #tpu.memory_space<vmem>>
      %dma_start3A_772 = arith.constant 0 : i32
      %dma_start3A_773 = arith.constant 0 : i32
      %dma_start3A_774 = tpu.memref_slice %arg2[%dma_start3A_772, %dma_start3A_773] : memref<1000000x128xf32, #tpu.memory_space<hbm>> -> memref<1000000x128xf32, #tpu.memory_space<hbm>>
      tpu.enqueue_indirect_dma source(%dma_start3A_774 : memref<1000000x128xf32, #tpu.memory_space<hbm>>) target(%arg10 : memref<128x128xf32, #tpu.memory_space<vmem>>) offsets(%dma_start3A_771 : memref<128xi32, #tpu.memory_space<vmem>>) semaphore(%arg16 : memref<!tpu.dma_semaphore, #tpu.memory_space<semaphore_mem>>)
      %dma_wait3A_775 = arith.constant 640 : i32
      %dma_wait3A_776 = tpu.memref_slice %arg5[%dma_wait3A_775] : memref<1024xi32, #tpu.memory_space<vmem>> -> memref<128xi32, #tpu.memory_space<vmem>>
      %dma_wait3A_777 = arith.constant 0 : i32
      %dma_wait3A_778 = arith.constant 0 : i32
      %dma_wait3A_779 = tpu.memref_slice %arg2[%dma_wait3A_777, %dma_wait3A_778] : memref<1000000x128xf32, #tpu.memory_space<hbm>> -> memref<1000000x128xf32, #tpu.memory_space<hbm>>
      tpu.wait_indirect_dma semaphore(%arg14 : memref<!tpu.dma_semaphore, #tpu.memory_space<semaphore_mem>>) src(%dma_wait3A_779 : memref<1000000x128xf32, #tpu.memory_space<hbm>>) dst(%arg8 : memref<128x128xf32, #tpu.memory_space<vmem>>)
      %mul3A_780 = arith.constant 1024 : i32
      %mul3A_781 = arith.muli %add3A_521, %mul3A_780 : i32
      %add3A_782 = arith.addi %multiple_of3A, %mul3A_781 : i32
      %add3A_783 = arith.constant 640 : i32
      %add3A_784 = arith.addi %add3A_782, %add3A_783 : i32
      %multiple_of3A_785 = tpu.assume_multiple %add3A_784, 8 : i32
      %dma_start3A_786 = arith.constant 0 : i32
      %dma_start3A_787 = tpu.memref_slice %arg4[%multiple_of3A_785, %dma_start3A_786] : memref<819200x128xf32, #tpu.memory_space<hbm>> -> memref<128x128xf32, #tpu.memory_space<hbm>>
      %dma_start3A_788 = arith.constant 0 : i32
      %dma_start3A_789 = tpu.memref_slice %arg4[%multiple_of3A_785, %dma_start3A_788] : memref<819200x128xf32, #tpu.memory_space<hbm>> -> memref<128x128xf32, #tpu.memory_space<hbm>>
      tpu.enqueue_dma source(%arg8 : memref<128x128xf32, #tpu.memory_space<vmem>>) target(%dma_start3A_789 : memref<128x128xf32, #tpu.memory_space<hbm>>) target_semaphore(%arg18 : memref<!tpu.dma_semaphore, #tpu.memory_space<semaphore_mem>>)
    }
    %scan3A_179 = arith.constant 12 : i32
    %dma_wait3A_180 = arith.constant 768 : i32
    %dma_wait3A_181 = tpu.memref_slice %arg5[%dma_wait3A_180] : memref<1024xi32, #tpu.memory_space<vmem>> -> memref<128xi32, #tpu.memory_space<vmem>>
    %dma_wait3A_182 = arith.constant 0 : i32
    %dma_wait3A_183 = arith.constant 0 : i32
    %dma_wait3A_184 = tpu.memref_slice %arg2[%dma_wait3A_182, %dma_wait3A_183] : memref<1000000x128xf32, #tpu.memory_space<hbm>> -> memref<1000000x128xf32, #tpu.memory_space<hbm>>
    tpu.wait_indirect_dma semaphore(%arg15 : memref<!tpu.dma_semaphore, #tpu.memory_space<semaphore_mem>>) src(%dma_wait3A_184 : memref<1000000x128xf32, #tpu.memory_space<hbm>>) dst(%arg9 : memref<128x128xf32, #tpu.memory_space<vmem>>)
    %add3A_185 = arith.constant 24576 : i32
    %add3A_186 = arith.addi %multiple_of3A, %add3A_185 : i32
    %add3A_187 = arith.constant 768 : i32
    %add3A_188 = arith.addi %add3A_186, %add3A_187 : i32
    %multiple_of3A_189 = tpu.assume_multiple %add3A_188, 8 : i32
    %dma_start3A_190 = arith.constant 0 : i32
    %dma_start3A_191 = tpu.memref_slice %arg4[%multiple_of3A_189, %dma_start3A_190] : memref<819200x128xf32, #tpu.memory_space<hbm>> -> memref<128x128xf32, #tpu.memory_space<hbm>>
    %dma_start3A_192 = arith.constant 0 : i32
    %dma_start3A_193 = tpu.memref_slice %arg4[%multiple_of3A_189, %dma_start3A_192] : memref<819200x128xf32, #tpu.memory_space<hbm>> -> memref<128x128xf32, #tpu.memory_space<hbm>>
    tpu.enqueue_dma source(%arg9 : memref<128x128xf32, #tpu.memory_space<vmem>>) target(%dma_start3A_193 : memref<128x128xf32, #tpu.memory_space<hbm>>) target_semaphore(%arg19 : memref<!tpu.dma_semaphore, #tpu.memory_space<semaphore_mem>>)
    %dma_wait3A_194 = arith.constant 896 : i32
    %dma_wait3A_195 = tpu.memref_slice %arg5[%dma_wait3A_194] : memref<1024xi32, #tpu.memory_space<vmem>> -> memref<128xi32, #tpu.memory_space<vmem>>
    %dma_wait3A_196 = arith.constant 0 : i32
    %dma_wait3A_197 = arith.constant 0 : i32
    %dma_wait3A_198 = tpu.memref_slice %arg2[%dma_wait3A_196, %dma_wait3A_197] : memref<1000000x128xf32, #tpu.memory_space<hbm>> -> memref<1000000x128xf32, #tpu.memory_space<hbm>>
    tpu.wait_indirect_dma semaphore(%arg16 : memref<!tpu.dma_semaphore, #tpu.memory_space<semaphore_mem>>) src(%dma_wait3A_198 : memref<1000000x128xf32, #tpu.memory_space<hbm>>) dst(%arg10 : memref<128x128xf32, #tpu.memory_space<vmem>>)
    %add3A_199 = arith.constant 24576 : i32
    %add3A_200 = arith.addi %multiple_of3A, %add3A_199 : i32
    %add3A_201 = arith.constant 896 : i32
    %add3A_202 = arith.addi %add3A_200, %add3A_201 : i32
    %multiple_of3A_203 = tpu.assume_multiple %add3A_202, 8 : i32
    %dma_start3A_204 = arith.constant 0 : i32
    %dma_start3A_205 = tpu.memref_slice %arg4[%multiple_of3A_203, %dma_start3A_204] : memref<819200x128xf32, #tpu.memory_space<hbm>> -> memref<128x128xf32, #tpu.memory_space<hbm>>
    %dma_start3A_206 = arith.constant 0 : i32
    %dma_start3A_207 = tpu.memref_slice %arg4[%multiple_of3A_203, %dma_start3A_206] : memref<819200x128xf32, #tpu.memory_space<hbm>> -> memref<128x128xf32, #tpu.memory_space<hbm>>
    tpu.enqueue_dma source(%arg10 : memref<128x128xf32, #tpu.memory_space<vmem>>) target(%dma_start3A_207 : memref<128x128xf32, #tpu.memory_space<hbm>>) target_semaphore(%arg20 : memref<!tpu.dma_semaphore, #tpu.memory_space<semaphore_mem>>)
    %add3A_208 = arith.constant 24576 : i32
    %add3A_209 = arith.addi %multiple_of3A, %add3A_208 : i32
    %add3A_210 = arith.constant 512 : i32
    %add3A_211 = arith.addi %add3A_209, %add3A_210 : i32
    %multiple_of3A_212 = tpu.assume_multiple %add3A_211, 8 : i32
    %dma_wait3A_213 = arith.constant 0 : i32
    %dma_wait3A_214 = tpu.memref_slice %arg4[%multiple_of3A_212, %dma_wait3A_213] : memref<819200x128xf32, #tpu.memory_space<hbm>> -> memref<128x128xf32, #tpu.memory_space<hbm>>
    %dma_wait3A_215 = arith.constant 0 : i32
    %dma_wait3A_216 = tpu.memref_slice %arg4[%multiple_of3A_212, %dma_wait3A_215] : memref<819200x128xf32, #tpu.memory_space<hbm>> -> memref<128x128xf32, #tpu.memory_space<hbm>>
    tpu.wait_dma2 semaphore(%arg17 : memref<!tpu.dma_semaphore, #tpu.memory_space<semaphore_mem>>) src(%arg7 : memref<128x128xf32, #tpu.memory_space<vmem>>) dst(%dma_wait3A_216 : memref<128x128xf32, #tpu.memory_space<hbm>>)
    %add3A_217 = arith.constant 24576 : i32
    %add3A_218 = arith.addi %multiple_of3A, %add3A_217 : i32
    %add3A_219 = arith.constant 640 : i32
    %add3A_220 = arith.addi %add3A_218, %add3A_219 : i32
    %multiple_of3A_221 = tpu.assume_multiple %add3A_220, 8 : i32
    %dma_wait3A_222 = arith.constant 0 : i32
    %dma_wait3A_223 = tpu.memref_slice %arg4[%multiple_of3A_221, %dma_wait3A_222] : memref<819200x128xf32, #tpu.memory_space<hbm>> -> memref<128x128xf32, #tpu.memory_space<hbm>>
    %dma_wait3A_224 = arith.constant 0 : i32
    %dma_wait3A_225 = tpu.memref_slice %arg4[%multiple_of3A_221, %dma_wait3A_224] : memref<819200x128xf32, #tpu.memory_space<hbm>> -> memref<128x128xf32, #tpu.memory_space<hbm>>
    tpu.wait_dma2 semaphore(%arg18 : memref<!tpu.dma_semaphore, #tpu.memory_space<semaphore_mem>>) src(%arg8 : memref<128x128xf32, #tpu.memory_space<vmem>>) dst(%dma_wait3A_225 : memref<128x128xf32, #tpu.memory_space<hbm>>)
    %add3A_226 = arith.constant 24576 : i32
    %add3A_227 = arith.addi %multiple_of3A, %add3A_226 : i32
    %add3A_228 = arith.constant 768 : i32
    %add3A_229 = arith.addi %add3A_227, %add3A_228 : i32
    %multiple_of3A_230 = tpu.assume_multiple %add3A_229, 8 : i32
    %dma_wait3A_231 = arith.constant 0 : i32
    %dma_wait3A_232 = tpu.memref_slice %arg4[%multiple_of3A_230, %dma_wait3A_231] : memref<819200x128xf32, #tpu.memory_space<hbm>> -> memref<128x128xf32, #tpu.memory_space<hbm>>
    %dma_wait3A_233 = arith.constant 0 : i32
    %dma_wait3A_234 = tpu.memref_slice %arg4[%multiple_of3A_230, %dma_wait3A_233] : memref<819200x128xf32, #tpu.memory_space<hbm>> -> memref<128x128xf32, #tpu.memory_space<hbm>>
    tpu.wait_dma2 semaphore(%arg19 : memref<!tpu.dma_semaphore, #tpu.memory_space<semaphore_mem>>) src(%arg9 : memref<128x128xf32, #tpu.memory_space<vmem>>) dst(%dma_wait3A_234 : memref<128x128xf32, #tpu.memory_space<hbm>>)
    %add3A_235 = arith.constant 24576 : i32
    %add3A_236 = arith.addi %multiple_of3A, %add3A_235 : i32
    %add3A_237 = arith.constant 896 : i32
    %add3A_238 = arith.addi %add3A_236, %add3A_237 : i32
    %multiple_of3A_239 = tpu.assume_multiple %add3A_238, 8 : i32
    %dma_wait3A_240 = arith.constant 0 : i32
    %dma_wait3A_241 = tpu.memref_slice %arg4[%multiple_of3A_239, %dma_wait3A_240] : memref<819200x128xf32, #tpu.memory_space<hbm>> -> memref<128x128xf32, #tpu.memory_space<hbm>>
    %dma_wait3A_242 = arith.constant 0 : i32
    %dma_wait3A_243 = tpu.memref_slice %arg4[%multiple_of3A_239, %dma_wait3A_242] : memref<819200x128xf32, #tpu.memory_space<hbm>> -> memref<128x128xf32, #tpu.memory_space<hbm>>
    tpu.wait_dma2 semaphore(%arg20 : memref<!tpu.dma_semaphore, #tpu.memory_space<semaphore_mem>>) src(%arg10 : memref<128x128xf32, #tpu.memory_space<vmem>>) dst(%dma_wait3A_243 : memref<128x128xf32, #tpu.memory_space<hbm>>)
    %add3A_244 = arith.constant 24576 : i32
    %add3A_245 = arith.addi %multiple_of3A, %add3A_244 : i32
    %multiple_of3A_246 = tpu.assume_multiple %add3A_245, 1024 : i32
    %dma_wait3A_247 = tpu.memref_slice %arg3[%multiple_of3A_246] : memref<819200xi32, #tpu.memory_space<hbm>> -> memref<1024xi32, #tpu.memory_space<hbm>>
    %dma_wait3A_248 = tpu.memref_slice %arg3[%multiple_of3A_246] : memref<819200xi32, #tpu.memory_space<hbm>> -> memref<1024xi32, #tpu.memory_space<hbm>>
    tpu.wait_dma2 semaphore(%arg12 : memref<!tpu.dma_semaphore, #tpu.memory_space<semaphore_mem>>) src(%dma_wait3A_248 : memref<1024xi32, #tpu.memory_space<hbm>>) dst(%arg6 : memref<1024xi32, #tpu.memory_space<vmem>>)
    return
  }
}

</mosaic_0001>

<sc_bundles>
// kernel: kernel.3.cloned.1.call-start
scs
__scs_entry_jumppad:
0x0: {  	(pc) =	sbr.rel $0x88, $3  }
0x1: {  	(tag) =	ssettag $0x0;
	lr =	simm.s32 $0x1  }
0x2: {  	[smem:$0x3F9F] =	sst lr;
	_ =	strace $0xD0000000  }
0x3: {  	_ = 	snop  }
0x4: {  	_ = 	snop  }
0x5: {  	_ = 	snop  }
0x6: {  	_ = 	snop  }
0x7: {  	_ = 	snop  }
__scs_overlays_trampoline_lowered:
0x8: {  	[smem:$0x3FAE] =	sst s0  }
0x9: {  	[smem:$0x3FAF] =	sst s1  }
0xa: {  	[smem:$0x3FB0] =	sst s2  }
0xb: {  	[smem:$0x3FB1] =	sst s3  }
0xc: {  	[smem:$0x3FB2] =	sst s4  }
0xd: {  	[smem:$0x3FB3] =	sst s5  }
0xe: {  	[smem:$0x3FB4] =	sst s6  }
0xf: {  	[smem:$0x3FB5] =	sst s7  }
0x10: {  	[smem:$0x3FB6] =	sst s8  }
0x11: {  	[smem:$0x3FB7] =	sst s9;
	s0 =	simm.s32 @!p0 $0x0  }
0x12: {  	s1 =	sld [smem:$0x3F9D];
	s0 =	simm.s32 @p0 $0x1  }
0x13: {  	[smem:$0x3FB8] =	sst s0;
	s0 =	simm.s32 @!p1 $0x0  }
0x14: {  	s2 =	sld [smem:$0x3F9C];
	s0 =	simm.s32 @p1 $0x1  }
0x15: {  	[smem:$0x3FB9] =	sst s0;
	s0 =	simm.s32 @!p2 $0x0  }
0x16: {  	s3 =	sld [smem:$0x3FDB];
	s0 =	simm.s32 @p2 $0x1  }
0x17: {  	s4 =	simm.s32 $0x1BF5;
	[smem:$0x3FBB] =	sst s0  }
0x18: {  	s0 =	sld [smem:$0x3F9E];
	_ =	swait.ge [sflag:s4], $0x0  }
0x19: {  	s7 =	sld [smem:$0x3F9F]  }
0x1a: {  	s8 =	sadd.s32 $0xFFFFE003, lr  }
0x1b: {  	s9 =	sadd.s32 $0xFFFFFEF7, lr;
	s5 =	simm.s32 $0xFFFFFFFF;
	p2 =	slt.u32 s8, $0xFFFFF086  }
0x1c: {  	p1 =	slt.u32 s9, $0xF7A;
	s5 =	simm.s32 @!p2 $0x0  }
0x1d: {  	s5 =	simm.s32 @p1 $0x1;
	p0 =	seq.s32 s7, s2  }
0x1e: {  	s7 =	smul.u32 @!p0 $0xF7A, s2;
	p2 =	seq.s32 @!p0 s5, $0x0  }
0x1f: {  	s9 =	smul.u32 $0xF7A, s1;
	s8 =	simm.s32 @!p0 $0x1BF5;
	p2 =	por !p2, p0  }
0x20: {  	[sflag:s8] =	ssyncset.s32 @!p0 $0xFFFFF086;
	s6 =	sadd.s32 @!p0 s3, s7;
	s7 =	simm.s32 @!p0 $0x108  }
0x21: {  	s3 =	sadd.s32 s3, s9;
	s6 =	sadd.s32 @!p0 $0x88, s6;
	s7 =	simm.s32 @p2 $0x1082  }
0x22: {  	[simem:s7], [sflag:s8] =	dma.local @!p0 [hbm:s6], $0xF7A  }
0x23: {  	s9 =	sor.u32 $0xD0000000, s2;
	s6 =	simm.s32 $0x108;
	_ =	swait.ge @!p0 [sflag:s8], $0x0  }
0x24: {  	s3 =	sadd.s32 $0x88, s3;
	s6 =	simm.s32 @!p1 $0x1082;
	[sflag:s4] =	ssyncset.s32 $0xFFFFF086  }
0x25: {  	[simem:s6], [sflag:s4] =	dma.local [hbm:s3], $0xF7A  }
0x26: {  	[smem:$0x3F9F] =	sst s1;
	(tag) =	ssettag s2;
	_ =	strace s9  }
0x27: {  	s1 =	sld [smem:$0x3FAF]  }
0x28: {  	s2 =	sld [smem:$0x3FB0]  }
0x29: {  	s4 =	sld [smem:$0x3FB2]  }
0x2a: {  	p0 =	seq.s32 s5, $0x0;
	s5 =	sld [smem:$0x3FB3]  }
0x2b: {  	s6 =	sld [smem:$0x3FB4]  }
0x2c: {  	s7 =	sld [smem:$0x3FB5]  }
0x2d: {  	s3 =	simm.s32 $0x108;
	s8 =	sld [smem:$0x3FB6]  }
0x2e: {  	s3 =	simm.s32 @!p0 $0x1082;
	s9 =	sld [smem:$0x3FB7]  }
0x2f: {  	lr =	sadd.s32 s0, s3;
	s0 =	sld [smem:$0x3FAE]  }
0x30: {  	s3 =	sld [smem:$0x3FB1]  }
0x31: {  	[smem:$0x3FBA] =	sst s10  }
0x32: {  	s10 =	sld [smem:$0x3FB8];
	_ =	sdelay $0x3  }
0x33: {  	p0 =	seq.s32 s10, $0x1;
	s10 =	sld [smem:$0x3FBA];
	_ =	sdelay $0x3  }
0x34: {  	[smem:$0x3FBA] =	sst s10  }
0x35: {  	s10 =	sld [smem:$0x3FB9];
	_ =	sdelay $0x3  }
0x36: {  	p1 =	seq.s32 s10, $0x1;
	s10 =	sld [smem:$0x3FBA];
	_ =	sdelay $0x3  }
0x37: {  	[smem:$0x3FBA] =	sst s10  }
0x38: {  	s10 =	sld [smem:$0x3FBB]  }
0x39: {  	_ = 	snop;
	(pc) =	sbr.ind lr, $3  }
0x3a: {  	_ = 	snop  }
0x3b: {  	_ = 	snop  }
0x3c: {  	p2 =	seq.s32 s10, $0x1;
	s10 =	sld [smem:$0x3FBA]  }
0x3d: {  	_ =	shalt  }
0x3e: {  	_ =	shalt  }
0x3f: {  	_ =	shalt  }
0x40: {  	_ =	shalt  }
0x41: {  	_ =	shalt  }
0x42: {  	_ =	shalt  }
0x43: {  	_ =	shalt  }
0x44: {  	_ =	shalt  }
0x45: {  	_ =	shalt  }
0x46: {  	_ =	shalt  }
0x47: {  	_ =	shalt  }
0x48: {  	_ =	shalt  }
0x49: {  	_ =	shalt  }
0x4a: {  	_ =	shalt  }
0x4b: {  	_ =	shalt  }
0x4c: {  	_ =	shalt  }
0x4d: {  	_ =	shalt  }
0x4e: {  	_ =	shalt  }
0x4f: {  	_ =	shalt  }
0x50: {  	_ =	shalt  }
0x51: {  	_ =	shalt  }
0x52: {  	_ =	shalt  }
0x53: {  	_ =	shalt  }
0x54: {  	_ =	shalt  }
0x55: {  	_ =	shalt  }
0x56: {  	_ =	shalt  }
0x57: {  	_ =	shalt  }
0x58: {  	_ =	shalt  }
0x59: {  	_ =	shalt  }
0x5a: {  	_ =	shalt  }
0x5b: {  	_ =	shalt  }
0x5c: {  	_ =	shalt  }
0x5d: {  	_ =	shalt  }
0x5e: {  	_ =	shalt  }
0x5f: {  	_ =	shalt  }
0x60: {  	_ =	shalt  }
0x61: {  	_ =	shalt  }
0x62: {  	_ =	shalt  }
0x63: {  	_ =	shalt  }
0x64: {  	_ =	shalt  }
0x65: {  	_ =	shalt  }
0x66: {  	_ =	shalt  }
0x67: {  	_ =	shalt  }
0x68: {  	_ =	shalt  }
0x69: {  	_ =	shalt  }
0x6a: {  	_ =	shalt  }
0x6b: {  	_ =	shalt  }
0x6c: {  	_ =	shalt  }
0x6d: {  	_ =	shalt  }
0x6e: {  	_ =	shalt  }
0x6f: {  	_ =	shalt  }
0x70: {  	_ =	shalt  }
0x71: {  	_ =	shalt  }
0x72: {  	_ =	shalt  }
0x73: {  	_ =	shalt  }
0x74: {  	_ =	shalt  }
0x75: {  	_ =	shalt  }
0x76: {  	_ =	shalt  }
0x77: {  	_ =	shalt  }
0x78: {  	_ =	shalt  }
0x79: {  	_ =	shalt  }
0x7a: {  	_ =	shalt  }
0x7b: {  	_ =	shalt  }
0x7c: {  	_ =	shalt  }
0x7d: {  	_ =	shalt  }
0x7e: {  	_ =	shalt  }
0x7f: {  	_ =	shalt  }
0x80: {  	_ =	shalt  }
0x81: {  	_ =	shalt  }
0x82: {  	_ =	shalt  }
0x83: {  	_ =	shalt  }
0x84: {  	_ =	shalt  }
0x85: {  	_ =	shalt  }
0x86: {  	_ =	shalt  }
0x87: {  	_ =	shalt  }
.Lfunc_end0:
.L_simem_size_0:
called_computation.1_lowered:
.L_overlay_start_0:
0x88: {  	s2 =	sld [smem:$0x3FD9]  }
0x89: {  	s3 =	sld [smem:$0x3FFE];
	_ =	sdelay $0x1  }
0x8a: {  	s1 =	srdreg.scid  }
0x8b: {  	s0 =	sand.u32 $0x1, s1  }
0x8c: {  	s17 =	sshll.u32 s0, $0xA;
	s2 =	sadd.s32 s3, s2  }
0x8d: {  	s2 =	sadd.s32 s2, s17  }
0x8e: {  	[smem:$0x3FC6] =	sst s2  }
0x8f: {  	_ = 	snop  }
0x90: {  	s2 =	sld [smem:$0x3FD0];
	(tm) =	ssettm $0x1  }
0x91: {  	s18 =	sld [smem:$0x3FFB];
	_ =	sdelay $0x3  }
0x92: {  	_ =	strace s18  }
0x93: {  	s3 =	sld [smem:$0x3FFC];
	_ =	sdelay $0x3  }
0x94: {  	_ =	strace s3  }
0x95: {  	s3 =	sld [smem:$0x3FFD];
	_ =	sdelay $0x3  }
0x96: {  	_ =	strace s3  }
0x97: {  	_ =	strace $0x8FFFFFFF  }
0x98: {  	s19 =	sld [smem:$0x3FDB];
	_ =	sdelay $0x1  }
0x99: {  	s4 =	simm.s32 $_scs_section_size  }
0x9a: {  	s5 =	simm.s32 $_size__tile_overlayer_lowered;
	s6 =	simm.s32 $_tile_overlayer_lowered  }
0x9b: {  	s22 =	simm.s32 $0x1BFF;
	s21 =	sshll.u32 s6, $0x1;
	s3 =	sadd.s32 s4, s19  }
0x9c: {  	s7 =	simm.s32 $0x0;
	s20 =	sshll.u32 s5, $0x1;
	s5 =	sadd.s32 s21, s3  }
0x9d: {  	[timem:s7], [sflag:s22] =	dma.local [hbm:s5], s20  }
0x9e: {  	_ =	swait.ge [sflag:s22], s20  }
0x9f: {  	s4 =	ssub.s32 $0x0, s20;
	[sflag:s22] =	ssyncset.done $0x0  }
0xa0: {  	[sflag:s22] =	ssyncadd.s32 s4;
	_ =	sdelay $0x1  }
0xa1: {  	s23 =	simm.s32 $0x1B8B  }
0xa2: {  	_ =	swait.ge [sflag:s23], $0x1  }
0xa3: {  	[sflag:s23] =	ssyncset.done $0x0  }
0xa4: {  	s25 =	simm.s32 $0x1B8E;
	s24 =	sld [smem:$0x3FFE];
	[sflag:s23] =	ssyncadd.s32 $0xFFFFFFFF  }
0xa5: {  	s26 =	simm.s32 $execute0_lowered;
	[smem:$0x3FD2] =	sst s25  }
0xa6: {  	s5 =	sshll.u32 s26, $0x1;
	_ =	strace $0x80000046;
	[dreg:$0x1] =	wrdreg $0xFFFFFFFF  }
0xa7: {  	s28 =	simm.s32 $_size_execute0_lowered;
	s3 =	sadd.s32 s3, s5;
	[dreg:$0x0] =	wrdreg $0x0  }
0xa8: {  	s5 =	sshll.u32 s28, $0x1;
	[dreg:$0x2] =	wrdreg s3  }
0xa9: {  	[dreg:$0x3] =	wrdreg s5  }
0xaa: {  	[dreg:$0x4] =	wrdreg $0xC0  }
0xab: {  	_ =	task [dreg:s7], $0x5FFFF  }
0xac: {  	[dreg:$0x1] =	wrdreg $0xFFFFFFFF  }
0xad: {  	[dreg:$0x0] =	wrdreg $0x60  }
0xae: {  	[dreg:$0x2] =	wrdreg s24  }
0xaf: {  	[dreg:$0x3] =	wrdreg s2  }
0xb0: {  	[dreg:$0x4] =	wrdreg $0x9  }
0xb1: {  	_ =	task.clear_ibuf [dreg:s7], $0x5FFFF;
	_ =	strace $0x90000046  }
0xb2: {  	s29 =	simm.s32 $0x9;
	_ =	strace $0x80000048  }
0xb3: {  	_ =	swait.ge [sflag:s29], $0x1  }
0xb4: {  	[sflag:s29] =	ssyncadd.s32 $0xFFFFFFFF  }
0xb5: {  	_ =	strace $0x90000048  }
0xb6: {  	_ =	sfence  }
0xb7: {  	s30 =	sld [smem:$0x0];
	_ =	sdelay $0x2  }
0xb8: {  	s31 =	sshll.u32 s1, $0xD;
	s1 =	sshrl.u32 s1, $0x2  }
0xb9: {  	s3 =	sand.u32 $0x4000, s31;
	s1 =	sadd.s32 s1, s30  }
0xba: {  	s0 =	sor.u32 s3, s0;
	s1 =	sshll.u32 s1, $0x11  }
0xbb: {  	s0 =	sor.u32 s1, s0  }
0xbc: {  	s0 =	sadd.s32 $0x8F2B, s0  }
0xbd: {  	[sflag:s0] =	ssyncadd.remote.s32 $0x1  }
0xbe: {  	_ =	sfence.sel $0xFFFF  }
0xbf: {  	[dreg:$0x0] =	wrdreg $0xFFFFFFFF;
	(pc) =	sbr.abs _section_cstart, $3  }
0xc0: {  	[dreg:$0x1] =	wrdreg $0xFFFFFFFF  }
0xc1: {  	_ =	task.clear_ibuf [dreg:s7], $0x2FFFF;
	_ =	strace $0x9FFFFFFF  }
0xc2: {  	(tm) =	ssettm $0x7FFFFFFF  }
0xc3: {  	_ =	shalt  }
tec
execute0_lowered:
.L_overlay_start_1:
0x0: {  	(tag) =	ssettag $0x1  }
0x1: {  	s0 =	rddreg [dreg:$0x0]  }
0x2: {  	s2 =	rddreg [dreg:$0x1];
	s1 =	srdreg.scid  }
0x3: {  	s10 =	stileid.u32;
	s3 =	simm.s32 $0x0;
	s20 =	simm.s32 $0x480  }
0x4: {  	s21 =	simm.s32 $0x500;
	s22 =	simm.s32 $0x580;
	s23 =	simm.s32 $0x600  }
0x5: {  	s28 =	simm.s32 $0x4;
	s29 =	simm.s32 $0x7;
	s30 =	simm.s32 $0x200  }
0x6: {  	s31 =	simm.s32 $0x5;
	s1 =	sand.u32 $0x1, s1;
	s26 =	smul.u32 $0xC800, s10  }
0x7: {  	s4 =	sshll.u32 s10, $0x1;
	[smem:$0x7FF] =	sst s3;
	s16 =	smul.u32 $0xC8000, s10  }
0x8: {  	s10 =	simm.s32 $0xA;
	s5 =	sor.u32 s1, s4;
	_ =	strace $0x80000047  }
0x9: {  	s6 =	ssub.s32 $0x2, s1;
	s4 =	sadd.s32 $0xF42E00, s0;
	[dreg:$0x6] =	wrdreg s20  }
0xa: {  	s0 =	sadd.s32 $0xA00, s0;
	s14 =	smul.u32 $0x6400, s1;
	[dreg:$0x7] =	wrdreg s21  }
0xb: {  	s1 =	smul.u32 $0x64000, s1;
	[dreg:$0x8] =	wrdreg s22;
	s20 =	simm.s32 $0x800  }
0xc: {  	[dreg:$0x9] =	wrdreg s23;
	s21 =	simm.s32 $0x4800;
	s7 =	smul.u32 $0x6400, s5  }
0xd: {  	s23 =	simm.s32 $0x8800;
	s8 =	sshrl.u32 s6, $0x1;
	s9 =	smul.u32 $0x64000, s5  }
0xe: {  	s5 =	smul.u32 $0x320000, s5;
	s15 =	sadd.s32 s14, s26;
	s26 =	simm.s32 $0x780  }
0xf: {  	s6 =	ssub.s32 s6, s8;
	s11 =	sadd.s32 s0, s9;
	[dreg:$0xc] =	wrdreg s26  }
0x10: {  	s24 =	sshrl.u32 s7, $0x3;
	s7 =	sadd.s32 $0xC00, s7;
	[dreg:$0xe] =	wrdreg s11  }
0x11: {  	s5 =	sshrl.u32 s5, $0x3;
	s6 =	smax.u32 s6, $0x1;
	[dreg:$0x3] =	wrdreg s7  }
0x12: {  	s19 =	sadd.s32 $0x800, s15;
	s26 =	simm.s32 $0xC800;
	[dreg:$0x17] =	wrdreg s6  }
0x13: {  	s8 =	sadd.s32 s2, s24;
	s25 =	sadd.s32 $0x800, s11;
	[dreg:$0x18] =	wrdreg s19  }
0x14: {  	s9 =	sadd.s32 $0x1000, s11;
	s13 =	sadd.s32 $0x1800, s11;
	[dreg:$0xd] =	wrdreg s8  }
0x15: {  	s12 =	sadd.s32 $0x2000, s11;
	s11 =	sadd.s32 $0x2800, s11;
	[dreg:$0x10] =	wrdreg s25  }
0x16: {  	s5 =	sadd.s32 s0, s5;
	s19 =	simm.s32 $0x80;
	[dreg:$0x11] =	wrdreg s9  }
0x17: {  	s24 =	simm.s32 $0x680;
	s7 =	simm.s32 $0x6;
	[dreg:$0x12] =	wrdreg s13  }
0x18: {  	s6 =	simm.s32 $0x0;
	s8 =	sadd.s32 $0x80, s8;
	[dreg:$0x13] =	wrdreg s12  }
0x19: {  	[dreg:$0x14] =	wrdreg s11;
	s17 =	sadd.s32 $0x63000, s5;
	s5 =	sadd.s32 $0x63800, s5  }
0x1a: {  	[dreg:$0xa] =	wrdreg s24;
	s25 =	simm.s32 $0x700;
	s13 =	simm.s32 $0x100  }
0x1b: {  	s24 =	simm.s32 $0x3;
	s9 =	simm.s32 $0x300;
	[dreg:$0xf] =	wrdreg s8  }
0x1c: {  	s11 =	simm.s32 $0x380;
	s12 =	simm.s32 $0x2;
	[dreg:$0x15] =	wrdreg s17  }
0x1d: {  	s8 =	sshll.u32 s15, $0x4;
	[dreg:$0x16] =	wrdreg s5;
	s17 =	simm.s32 $0x400  }
0x1e: {  	[dreg:$0xb] =	wrdreg s25;
	s8 =	sadd.s32 s0, s8;
	s0 =	sadd.s32 s16, s0  }
0x1f: {  	s25 =	simm.s32 $0x180;
	s18 =	sadd.s32 $0x4000, s8;
	s0 =	sadd.s32 s1, s0  }
0x20: {  	s1 =	simm.s32 $0x280;
	s8 =	simm.s32 $0x9;
	[dreg:$0x4] =	wrdreg s18  }
0x21: {  	[dreg:$0x5] =	wrdreg s0;
	s18 =	simm.s32 $0x1;
	s0 =	simm.s32 $0x8  }
.LBB2_1:
0x22: {  	[dreg:$0x19] =	wrdreg s6  }
0x23: {  	s5 =	rddreg [dreg:$0xd]  }
0x24: {  	[tilespmem:s3], [sflag:$0x1] =	stream.linear.gather [hbm4b:s5+s3], $0x400, $0x38;
	[tilespmem:$0x10800] =	vst v63  }
0x25: {  	s22 =	rddreg [dreg:$0xf]  }
0x26: {  	[tilespmem:s17], [sflag:$0x2] =	stream.linear.gather [hbm4b:s22+s3], $0x400, $0x38;
	[tilespmem:$0x10800] =	vst v63  }
0x27: {  	_ =	swait.ge [sflag:s18], $0x400  }
0x28: {  	[sflag:s18] =	ssyncset.done $0x0  }
0x29: {  	[sflag:s18] =	ssyncadd.s32 $0xFFFFFC00  }
0x2a: {  	[tilespmem:s20], [sflag:$0x3] =	stream.indirect.gather [hbm4b:s4+s19], $0x80, s3, s19, $0xb8;
	[tilespmem:$0x10800] =	vst v63  }
0x2b: {  	_ = 	snop  }
0x2c: {  	[tilespmem:s21], [sflag:$0x4] =	stream.indirect.gather [hbm4b:s4+s19], $0x80, s19, s19, $0xb8;
	[tilespmem:$0x10800] =	vst v63  }
0x2d: {  	_ = 	snop  }
0x2e: {  	[tilespmem:s23], [sflag:$0x5] =	stream.indirect.gather [hbm4b:s4+s19], $0x80, s13, s19, $0xb8;
	[tilespmem:$0x10800] =	vst v63  }
0x2f: {  	_ =	swait.ge [sflag:s24], $0x4000  }
0x30: {  	[sflag:s24] =	ssyncset.done $0x0  }
0x31: {  	s6 =	rddreg [dreg:$0xe];
	[sflag:s24] =	ssyncadd.s32 $0xFFFFC000  }
0x32: {  	[hbm4b:s6+s3] =	stream.linear.scatter [tilespmem:s20], [sflag:$0x7], $0x4000, $0x38;
	[tilespmem:$0x10800] =	vst v63  }
0x33: {  	_ = 	snop  }
0x34: {  	[tilespmem:s26], [sflag:$0x6] =	stream.indirect.gather [hbm4b:s4+s19], $0x80, s25, s19, $0xb8;
	[tilespmem:$0x10800] =	vst v63  }
0x35: {  	_ =	swait.ge [sflag:s28], $0x4000  }
0x36: {  	[sflag:s28] =	ssyncset.done $0x0  }
0x37: {  	s14 =	rddreg [dreg:$0x10];
	[sflag:s28] =	ssyncadd.s32 $0xFFFFC000  }
0x38: {  	[hbm4b:s14+s3] =	stream.linear.scatter [tilespmem:s21], [sflag:$0x8], $0x4000, $0x38;
	[tilespmem:$0x10800] =	vst v63  }
0x39: {  	_ =	swait.ge [sflag:s29], $0x4000  }
0x3a: {  	[sflag:s29] =	ssyncset.done $0x0  }
0x3b: {  	[sflag:s29] =	ssyncadd.s32 $0xFFFFC000  }
0x3c: {  	[tilespmem:s20], [sflag:$0x3] =	stream.indirect.gather [hbm4b:s4+s19], $0x80, s30, s19, $0xb8;
	[tilespmem:$0x10800] =	vst v63  }
0x3d: {  	_ =	swait.ge [sflag:s31], $0x4000  }
0x3e: {  	[sflag:s31] =	ssyncset.done $0x0  }
0x3f: {  	s15 =	rddreg [dreg:$0x11];
	[sflag:s31] =	ssyncadd.s32 $0xFFFFC000  }
0x40: {  	[hbm4b:s15+s3] =	stream.linear.scatter [tilespmem:s23], [sflag:$0x9], $0x4000, $0x38;
	[tilespmem:$0x10800] =	vst v63  }
0x41: {  	_ =	swait.ge [sflag:s0], $0x4000  }
0x42: {  	[sflag:s0] =	ssyncset.done $0x0  }
0x43: {  	[sflag:s0] =	ssyncadd.s32 $0xFFFFC000  }
0x44: {  	[tilespmem:s21], [sflag:$0x4] =	stream.indirect.gather [hbm4b:s4+s19], $0x80, s1, s19, $0xb8;
	[tilespmem:$0x10800] =	vst v63  }
0x45: {  	_ =	swait.ge [sflag:s7], $0x4000  }
0x46: {  	[sflag:s7] =	ssyncset.done $0x0  }
0x47: {  	s16 =	rddreg [dreg:$0x12];
	[sflag:s7] =	ssyncadd.s32 $0xFFFFC000  }
0x48: {  	[hbm4b:s16+s3] =	stream.linear.scatter [tilespmem:s26], [sflag:$0xA], $0x4000, $0x38;
	[tilespmem:$0x10800] =	vst v63  }
0x49: {  	_ =	swait.ge [sflag:s8], $0x4000  }
0x4a: {  	[sflag:s8] =	ssyncset.done $0x0  }
0x4b: {  	[sflag:s8] =	ssyncadd.s32 $0xFFFFC000  }
0x4c: {  	[tilespmem:s23], [sflag:$0x5] =	stream.indirect.gather [hbm4b:s4+s19], $0x80, s9, s19, $0xb8;
	[tilespmem:$0x10800] =	vst v63  }
0x4d: {  	_ =	swait.ge [sflag:s24], $0x4000  }
0x4e: {  	[sflag:s24] =	ssyncset.done $0x0  }
0x4f: {  	s22 =	rddreg [dreg:$0x13];
	[sflag:s24] =	ssyncadd.s32 $0xFFFFC000  }
0x50: {  	[hbm4b:s22+s3] =	stream.linear.scatter [tilespmem:s20], [sflag:$0x7], $0x4000, $0x38;
	[tilespmem:$0x10800] =	vst v63  }
0x51: {  	_ =	swait.ge [sflag:s10], $0x4000  }
0x52: {  	[sflag:s10] =	ssyncset.done $0x0  }
0x53: {  	[sflag:s10] =	ssyncadd.s32 $0xFFFFC000  }
0x54: {  	[tilespmem:s26], [sflag:$0x6] =	stream.indirect.gather [hbm4b:s4+s19], $0x80, s11, s19, $0xb8;
	[tilespmem:$0x10800] =	vst v63  }
0x55: {  	_ =	swait.ge [sflag:s28], $0x4000  }
0x56: {  	[sflag:s28] =	ssyncset.done $0x0  }
0x57: {  	s6 =	rddreg [dreg:$0x14];
	[sflag:s28] =	ssyncadd.s32 $0xFFFFC000  }
0x58: {  	[hbm4b:s6+s3] =	stream.linear.scatter [tilespmem:s21], [sflag:$0x8], $0x4000, $0x38;
	[tilespmem:$0x10800] =	vst v63  }
0x59: {  	_ =	swait.ge [sflag:s29], $0x4000  }
0x5a: {  	[sflag:s29] =	ssyncset.done $0x0  }
0x5b: {  	[sflag:s29] =	ssyncadd.s32 $0xFFFFC000  }
0x5c: {  	_ =	swait.ge [sflag:s12], $0x400  }
0x5d: {  	[sflag:s12] =	ssyncset.done $0x0  }
0x5e: {  	[sflag:s12] =	ssyncadd.s32 $0xFFFFFC00  }
0x5f: {  	[tilespmem:s20], [sflag:$0x3] =	stream.indirect.gather [hbm4b:s4+s19], $0x80, s17, s19, $0xb8;
	[tilespmem:$0x10800] =	vst v63  }
0x60: {  	_ =	swait.ge [sflag:s31], $0x4000  }
0x61: {  	s14 =	rddreg [dreg:$0x5]  }
0x62: {  	[sflag:s31] =	ssyncset.done $0x0;
	s5 =	sadd.s32 $0x0, s14  }
0x63: {  	[sflag:s31] =	ssyncadd.s32 $0xFFFFC000;
	s15 =	sadd.s32 $0x3000, s5  }
0x64: {  	[hbm4b:s15+s3] =	stream.linear.scatter [tilespmem:s23], [sflag:$0x9], $0x4000, $0x38;
	[tilespmem:$0x10800] =	vst v63  }
0x65: {  	_ =	swait.ge [sflag:s0], $0x4000  }
0x66: {  	[sflag:s0] =	ssyncset.done $0x0  }
0x67: {  	s16 =	rddreg [dreg:$0x6];
	[sflag:s0] =	ssyncadd.s32 $0xFFFFC000  }
0x68: {  	[tilespmem:s21], [sflag:$0x4] =	stream.indirect.gather [hbm4b:s4+s19], $0x80, s16, s19, $0xb8;
	[tilespmem:$0x10800] =	vst v63  }
0x69: {  	_ =	swait.ge [sflag:s7], $0x4000  }
0x6a: {  	[sflag:s7] =	ssyncset.done $0x0;
	s16 =	rddreg [dreg:$0x18]  }
0x6b: {  	s22 =	sadd.s32 $0x3800, s5;
	[sflag:s7] =	ssyncadd.s32 $0xFFFFC000;
	s14 =	sshrl.u32 s16, $0x3  }
0x6c: {  	[hbm4b:s22+s3] =	stream.linear.scatter [tilespmem:s26], [sflag:$0xA], $0x4000, $0x38;
	[tilespmem:$0x10800] =	vst v63  }
0x6d: {  	s14 =	sadd.s32 s2, s14  }
0x6e: {  	[tilespmem:s3], [sflag:$0x1] =	stream.linear.gather [hbm4b:s14+s3], $0x400, $0x38;
	[tilespmem:$0x10800] =	vst v63  }
0x6f: {  	_ =	swait.ge [sflag:s8], $0x4000  }
0x70: {  	[sflag:s8] =	ssyncset.done $0x0  }
0x71: {  	s15 =	rddreg [dreg:$0x7];
	[sflag:s8] =	ssyncadd.s32 $0xFFFFC000  }
0x72: {  	[tilespmem:s23], [sflag:$0x5] =	stream.indirect.gather [hbm4b:s4+s19], $0x80, s15, s19, $0xb8;
	[tilespmem:$0x10800] =	vst v63  }
0x73: {  	_ =	swait.ge [sflag:s24], $0x4000  }
0x74: {  	[sflag:s24] =	ssyncset.done $0x0  }
0x75: {  	s22 =	sadd.s32 $0x4000, s5;
	[sflag:s24] =	ssyncadd.s32 $0xFFFFC000  }
0x76: {  	[hbm4b:s22+s3] =	stream.linear.scatter [tilespmem:s20], [sflag:$0x7], $0x4000, $0x38;
	[tilespmem:$0x10800] =	vst v63  }
0x77: {  	_ =	swait.ge [sflag:s10], $0x4000  }
0x78: {  	[sflag:s10] =	ssyncset.done $0x0  }
0x79: {  	s14 =	rddreg [dreg:$0x8];
	[sflag:s10] =	ssyncadd.s32 $0xFFFFC000  }
0x7a: {  	[tilespmem:s26], [sflag:$0x6] =	stream.indirect.gather [hbm4b:s4+s19], $0x80, s14, s19, $0xb8;
	[tilespmem:$0x10800] =	vst v63  }
0x7b: {  	_ =	swait.ge [sflag:s28], $0x4000  }
0x7c: {  	s15 =	rddreg [dreg:$0x4]  }
0x7d: {  	[sflag:s28] =	ssyncset.done $0x0;
	s6 =	sadd.s32 $0x0, s15  }
0x7e: {  	[sflag:s28] =	ssyncadd.s32 $0xFFFFC000;
	s22 =	sadd.s32 $0x800, s6  }
0x7f: {  	[hbm4b:s22+s3] =	stream.linear.scatter [tilespmem:s21], [sflag:$0x8], $0x4000, $0x38;
	[tilespmem:$0x10800] =	vst v63  }
0x80: {  	_ =	swait.ge [sflag:s29], $0x4000  }
0x81: {  	[sflag:s29] =	ssyncset.done $0x0  }
0x82: {  	s15 =	rddreg [dreg:$0x9];
	[sflag:s29] =	ssyncadd.s32 $0xFFFFC000  }
0x83: {  	[tilespmem:s20], [sflag:$0x3] =	stream.indirect.gather [hbm4b:s4+s19], $0x80, s15, s19, $0xb8;
	[tilespmem:$0x10800] =	vst v63  }
0x84: {  	_ =	swait.ge [sflag:s31], $0x4000  }
0x85: {  	[sflag:s31] =	ssyncset.done $0x0  }
0x86: {  	s22 =	sadd.s32 $0x1000, s6;
	[sflag:s31] =	ssyncadd.s32 $0xFFFFC000  }
0x87: {  	[hbm4b:s22+s3] =	stream.linear.scatter [tilespmem:s23], [sflag:$0x9], $0x4000, $0x38;
	[tilespmem:$0x10800] =	vst v63  }
0x88: {  	_ =	swait.ge [sflag:s0], $0x4000  }
0x89: {  	[sflag:s0] =	ssyncset.done $0x0  }
0x8a: {  	s15 =	rddreg [dreg:$0xa];
	[sflag:s0] =	ssyncadd.s32 $0xFFFFC000  }
0x8b: {  	[tilespmem:s21], [sflag:$0x4] =	stream.indirect.gather [hbm4b:s4+s19], $0x80, s15, s19, $0xb8;
	[tilespmem:$0x10800] =	vst v63  }
0x8c: {  	_ =	swait.ge [sflag:s7], $0x4000  }
0x8d: {  	[sflag:s7] =	ssyncset.done $0x0  }
0x8e: {  	s22 =	sadd.s32 $0x1800, s6;
	[sflag:s7] =	ssyncadd.s32 $0xFFFFC000  }
0x8f: {  	[hbm4b:s22+s3] =	stream.linear.scatter [tilespmem:s26], [sflag:$0xA], $0x4000, $0x38;
	[tilespmem:$0x10800] =	vst v63  }
0x90: {  	_ =	swait.ge [sflag:s8], $0x4000  }
0x91: {  	[sflag:s8] =	ssyncset.done $0x0  }
0x92: {  	s15 =	rddreg [dreg:$0xb];
	[sflag:s8] =	ssyncadd.s32 $0xFFFFC000  }
0x93: {  	[tilespmem:s23], [sflag:$0x5] =	stream.indirect.gather [hbm4b:s4+s19], $0x80, s15, s19, $0xb8;
	[tilespmem:$0x10800] =	vst v63  }
0x94: {  	_ =	swait.ge [sflag:s24], $0x4000  }
0x95: {  	[sflag:s24] =	ssyncset.done $0x0  }
0x96: {  	s22 =	sadd.s32 $0x2000, s6;
	[sflag:s24] =	ssyncadd.s32 $0xFFFFC000  }
0x97: {  	[hbm4b:s22+s3] =	stream.linear.scatter [tilespmem:s20], [sflag:$0x7], $0x4000, $0x38;
	[tilespmem:$0x10800] =	vst v63  }
0x98: {  	_ =	swait.ge [sflag:s10], $0x4000  }
0x99: {  	[sflag:s10] =	ssyncset.done $0x0  }
0x9a: {  	s15 =	rddreg [dreg:$0xc];
	[sflag:s10] =	ssyncadd.s32 $0xFFFFC000  }
0x9b: {  	[tilespmem:s26], [sflag:$0x6] =	stream.indirect.gather [hbm4b:s4+s19], $0x80, s15, s19, $0xb8;
	[tilespmem:$0x10800] =	vst v63  }
0x9c: {  	_ =	swait.ge [sflag:s28], $0x4000  }
0x9d: {  	[sflag:s28] =	ssyncset.done $0x0  }
0x9e: {  	s22 =	sadd.s32 $0x2800, s6;
	[sflag:s28] =	ssyncadd.s32 $0xFFFFC000  }
0x9f: {  	[hbm4b:s22+s3] =	stream.linear.scatter [tilespmem:s21], [sflag:$0x8], $0x4000, $0x38;
	[tilespmem:$0x10800] =	vst v63  }
0xa0: {  	_ =	swait.ge [sflag:s29], $0x4000  }
0xa1: {  	[sflag:s29] =	ssyncset.done $0x0  }
0xa2: {  	[sflag:s29] =	ssyncadd.s32 $0xFFFFC000  }
0xa3: {  	_ =	swait.ge [sflag:s18], $0x400  }
0xa4: {  	[sflag:s18] =	ssyncset.done $0x0  }
0xa5: {  	[sflag:s18] =	ssyncadd.s32 $0xFFFFFC00  }
0xa6: {  	[tilespmem:s20], [sflag:$0x3] =	stream.indirect.gather [hbm4b:s4+s19], $0x80, s3, s19, $0xb8;
	[tilespmem:$0x10800] =	vst v63  }
0xa7: {  	_ =	swait.ge [sflag:s31], $0x4000  }
0xa8: {  	[sflag:s31] =	ssyncset.done $0x0  }
0xa9: {  	s15 =	sadd.s32 $0x3000, s6;
	[sflag:s31] =	ssyncadd.s32 $0xFFFFC000  }
0xaa: {  	[hbm4b:s15+s3] =	stream.linear.scatter [tilespmem:s23], [sflag:$0x9], $0x4000, $0x38;
	[tilespmem:$0x10800] =	vst v63  }
0xab: {  	_ =	swait.ge [sflag:s0], $0x4000  }
0xac: {  	[sflag:s0] =	ssyncset.done $0x0  }
0xad: {  	[sflag:s0] =	ssyncadd.s32 $0xFFFFC000  }
0xae: {  	[tilespmem:s21], [sflag:$0x4] =	stream.indirect.gather [hbm4b:s4+s19], $0x80, s19, s19, $0xb8;
	[tilespmem:$0x10800] =	vst v63  }
0xaf: {  	s22 =	smin.u32 s3, $0x15;
	_ =	swait.ge [sflag:s7], $0x4000  }
0xb0: {  	s14 =	sshll.u32 s22, $0xA;
	[sflag:s7] =	ssyncset.done $0x0;
	s15 =	rddreg [dreg:$0x3]  }
0xb1: {  	s6 =	sadd.s32 $0x3800, s6;
	[sflag:s7] =	ssyncadd.s32 $0xFFFFC000;
	s15 =	sadd.s32 s14, s15  }
0xb2: {  	[hbm4b:s6+s3] =	stream.linear.scatter [tilespmem:s26], [sflag:$0xA], $0x4000, $0x38;
	[tilespmem:$0x10800] =	vst v63  }
0xb3: {  	s6 =	sshrl.u32 s15, $0x3  }
0xb4: {  	s6 =	sadd.s32 s2, s6  }
0xb5: {  	[tilespmem:s17], [sflag:$0x2] =	stream.linear.gather [hbm4b:s6+s3], $0x400, $0x38;
	[tilespmem:$0x10800] =	vst v63  }
0xb6: {  	_ =	swait.ge [sflag:s8], $0x4000  }
0xb7: {  	[sflag:s8] =	ssyncset.done $0x0  }
0xb8: {  	[sflag:s8] =	ssyncadd.s32 $0xFFFFC000  }
0xb9: {  	[tilespmem:s23], [sflag:$0x5] =	stream.indirect.gather [hbm4b:s4+s19], $0x80, s13, s19, $0xb8;
	[tilespmem:$0x10800] =	vst v63  }
0xba: {  	_ =	swait.ge [sflag:s24], $0x4000  }
0xbb: {  	[sflag:s24] =	ssyncset.done $0x0  }
0xbc: {  	s22 =	sadd.s32 $0x8000, s5;
	[sflag:s24] =	ssyncadd.s32 $0xFFFFC000  }
0xbd: {  	[hbm4b:s22+s3] =	stream.linear.scatter [tilespmem:s20], [sflag:$0x7], $0x4000, $0x38;
	[tilespmem:$0x10800] =	vst v63  }
0xbe: {  	_ =	swait.ge [sflag:s10], $0x4000  }
0xbf: {  	[sflag:s10] =	ssyncset.done $0x0  }
0xc0: {  	[sflag:s10] =	ssyncadd.s32 $0xFFFFC000  }
0xc1: {  	[tilespmem:s26], [sflag:$0x6] =	stream.indirect.gather [hbm4b:s4+s19], $0x80, s25, s19, $0xb8;
	[tilespmem:$0x10800] =	vst v63  }
0xc2: {  	_ =	swait.ge [sflag:s28], $0x4000  }
0xc3: {  	[sflag:s28] =	ssyncset.done $0x0  }
0xc4: {  	s13 =	sadd.s32 $0x8800, s5;
	[sflag:s28] =	ssyncadd.s32 $0xFFFFC000  }
0xc5: {  	[hbm4b:s13+s3] =	stream.linear.scatter [tilespmem:s21], [sflag:$0x8], $0x4000, $0x38;
	[tilespmem:$0x10800] =	vst v63  }
0xc6: {  	_ =	swait.ge [sflag:s29], $0x4000  }
0xc7: {  	[sflag:s29] =	ssyncset.done $0x0  }
0xc8: {  	[sflag:s29] =	ssyncadd.s32 $0xFFFFC000  }
0xc9: {  	[tilespmem:s20], [sflag:$0x3] =	stream.indirect.gather [hbm4b:s4+s19], $0x80, s30, s19, $0xb8;
	[tilespmem:$0x10800] =	vst v63  }
0xca: {  	_ =	swait.ge [sflag:s31], $0x4000  }
0xcb: {  	[sflag:s31] =	ssyncset.done $0x0  }
0xcc: {  	s14 =	sadd.s32 $0x9000, s5;
	[sflag:s31] =	ssyncadd.s32 $0xFFFFC000  }
0xcd: {  	[hbm4b:s14+s3] =	stream.linear.scatter [tilespmem:s23], [sflag:$0x9], $0x4000, $0x38;
	[tilespmem:$0x10800] =	vst v63  }
0xce: {  	_ =	swait.ge [sflag:s0], $0x4000  }
0xcf: {  	[sflag:s0] =	ssyncset.done $0x0  }
0xd0: {  	[sflag:s0] =	ssyncadd.s32 $0xFFFFC000  }
0xd1: {  	[tilespmem:s21], [sflag:$0x4] =	stream.indirect.gather [hbm4b:s4+s19], $0x80, s1, s19, $0xb8;
	[tilespmem:$0x10800] =	vst v63  }
0xd2: {  	_ =	swait.ge [sflag:s7], $0x4000  }
0xd3: {  	[sflag:s7] =	ssyncset.done $0x0  }
0xd4: {  	s15 =	sadd.s32 $0x9800, s5;
	[sflag:s7] =	ssyncadd.s32 $0xFFFFC000  }
0xd5: {  	[hbm4b:s15+s3] =	stream.linear.scatter [tilespmem:s26], [sflag:$0xA], $0x4000, $0x38;
	[tilespmem:$0x10800] =	vst v63  }
0xd6: {  	_ =	swait.ge [sflag:s8], $0x4000  }
0xd7: {  	[sflag:s8] =	ssyncset.done $0x0  }
0xd8: {  	[sflag:s8] =	ssyncadd.s32 $0xFFFFC000  }
0xd9: {  	[tilespmem:s23], [sflag:$0x5] =	stream.indirect.gather [hbm4b:s4+s19], $0x80, s9, s19, $0xb8;
	[tilespmem:$0x10800] =	vst v63  }
0xda: {  	_ =	swait.ge [sflag:s24], $0x4000  }
0xdb: {  	[sflag:s24] =	ssyncset.done $0x0  }
0xdc: {  	s22 =	sadd.s32 $0xA000, s5;
	[sflag:s24] =	ssyncadd.s32 $0xFFFFC000  }
0xdd: {  	[hbm4b:s22+s3] =	stream.linear.scatter [tilespmem:s20], [sflag:$0x7], $0x4000, $0x38;
	[tilespmem:$0x10800] =	vst v63  }
0xde: {  	s14 =	simm.s32 $0x8000;
	s15 =	simm.s32 $0x0;
	_ =	swait.ge [sflag:s10], $0x4000  }
.LBB2_2:
0xdf: {  	[sflag:s10] =	ssyncset.done $0x0  }
0xe0: {  	[sflag:s10] =	ssyncadd.s32 $0xFFFFC000  }
0xe1: {  	[tilespmem:s26], [sflag:$0x6] =	stream.indirect.gather [hbm4b:s4+s19], $0x80, s11, s19, $0xb8;
	[tilespmem:$0x10800] =	vst v63  }
0xe2: {  	_ =	swait.ge [sflag:s28], $0x4000  }
0xe3: {  	[sflag:s28] =	ssyncset.done $0x0  }
0xe4: {  	s5 =	sadd.s32 $0xA800, s5;
	[sflag:s28] =	ssyncadd.s32 $0xFFFFC000  }
0xe5: {  	[hbm4b:s5+s3] =	stream.linear.scatter [tilespmem:s21], [sflag:$0x8], $0x4000, $0x38;
	[tilespmem:$0x10800] =	vst v63  }
0xe6: {  	_ =	swait.ge [sflag:s29], $0x4000  }
0xe7: {  	[sflag:s29] =	ssyncset.done $0x0  }
0xe8: {  	[sflag:s29] =	ssyncadd.s32 $0xFFFFC000  }
0xe9: {  	_ =	swait.ge [sflag:s12], $0x400  }
0xea: {  	[sflag:s12] =	ssyncset.done $0x0  }
0xeb: {  	[sflag:s12] =	ssyncadd.s32 $0xFFFFFC00  }
0xec: {  	[tilespmem:s20], [sflag:$0x3] =	stream.indirect.gather [hbm4b:s4+s19], $0x80, s17, s19, $0xb8;
	[tilespmem:$0x10800] =	vst v63  }
0xed: {  	_ =	swait.ge [sflag:s31], $0x4000  }
0xee: {  	s6 =	smov.u32 s14;
	s13 =	rddreg [dreg:$0x5]  }
0xef: {  	[sflag:s31] =	ssyncset.done $0x0;
	s5 =	sadd.s32 s6, s13  }
0xf0: {  	[sflag:s31] =	ssyncadd.s32 $0xFFFFC000;
	s13 =	sadd.s32 $0x3000, s5  }
0xf1: {  	[hbm4b:s13+s3] =	stream.linear.scatter [tilespmem:s23], [sflag:$0x9], $0x4000, $0x38;
	[tilespmem:$0x10800] =	vst v63  }
0xf2: {  	_ =	swait.ge [sflag:s0], $0x4000  }
0xf3: {  	[sflag:s0] =	ssyncset.done $0x0  }
0xf4: {  	s22 =	rddreg [dreg:$0x6];
	[sflag:s0] =	ssyncadd.s32 $0xFFFFC000  }
0xf5: {  	[tilespmem:s21], [sflag:$0x4] =	stream.indirect.gather [hbm4b:s4+s19], $0x80, s22, s19, $0xb8;
	[tilespmem:$0x10800] =	vst v63  }
0xf6: {  	_ =	swait.ge [sflag:s7], $0x4000  }
0xf7: {  	s16 =	sadd.s32 $0x800, s16;
	[sflag:s7] =	ssyncset.done $0x0  }
0xf8: {  	s13 =	sadd.s32 $0x3800, s5;
	s22 =	sshrl.u32 s16, $0x3;
	[sflag:s7] =	ssyncadd.s32 $0xFFFFC000  }
0xf9: {  	[hbm4b:s13+s3] =	stream.linear.scatter [tilespmem:s26], [sflag:$0xA], $0x4000, $0x38;
	[tilespmem:$0x10800] =	vst v63  }
0xfa: {  	s22 =	sadd.s32 s2, s22  }
0xfb: {  	[tilespmem:s3], [sflag:$0x1] =	stream.linear.gather [hbm4b:s22+s3], $0x400, $0x38;
	[tilespmem:$0x10800] =	vst v63  }
0xfc: {  	_ =	swait.ge [sflag:s8], $0x4000  }
0xfd: {  	[sflag:s8] =	ssyncset.done $0x0  }
0xfe: {  	s22 =	rddreg [dreg:$0x7];
	[sflag:s8] =	ssyncadd.s32 $0xFFFFC000  }
0xff: {  	[tilespmem:s23], [sflag:$0x5] =	stream.indirect.gather [hbm4b:s4+s19], $0x80, s22, s19, $0xb8;
	[tilespmem:$0x10800] =	vst v63  }
0x100: {  	_ =	swait.ge [sflag:s24], $0x4000  }
0x101: {  	[sflag:s24] =	ssyncset.done $0x0  }
0x102: {  	s22 =	sadd.s32 $0x4000, s5;
	[sflag:s24] =	ssyncadd.s32 $0xFFFFC000  }
0x103: {  	[hbm4b:s22+s3] =	stream.linear.scatter [tilespmem:s20], [sflag:$0x7], $0x4000, $0x38;
	[tilespmem:$0x10800] =	vst v63  }
0x104: {  	_ =	swait.ge [sflag:s10], $0x4000  }
0x105: {  	[sflag:s10] =	ssyncset.done $0x0  }
0x106: {  	s22 =	rddreg [dreg:$0x8];
	[sflag:s10] =	ssyncadd.s32 $0xFFFFC000  }
0x107: {  	[tilespmem:s26], [sflag:$0x6] =	stream.indirect.gather [hbm4b:s4+s19], $0x80, s22, s19, $0xb8;
	[tilespmem:$0x10800] =	vst v63  }
0x108: {  	_ =	swait.ge [sflag:s28], $0x4000  }
0x109: {  	s22 =	rddreg [dreg:$0x4]  }
0x10a: {  	[sflag:s28] =	ssyncset.done $0x0;
	s6 =	sadd.s32 s6, s22  }
0x10b: {  	[sflag:s28] =	ssyncadd.s32 $0xFFFFC000;
	s13 =	sadd.s32 $0x800, s6  }
0x10c: {  	[hbm4b:s13+s3] =	stream.linear.scatter [tilespmem:s21], [sflag:$0x8], $0x4000, $0x38;
	[tilespmem:$0x10800] =	vst v63  }
0x10d: {  	_ =	swait.ge [sflag:s29], $0x4000  }
0x10e: {  	[sflag:s29] =	ssyncset.done $0x0  }
0x10f: {  	s22 =	rddreg [dreg:$0x9];
	[sflag:s29] =	ssyncadd.s32 $0xFFFFC000  }
0x110: {  	[tilespmem:s20], [sflag:$0x3] =	stream.indirect.gather [hbm4b:s4+s19], $0x80, s22, s19, $0xb8;
	[tilespmem:$0x10800] =	vst v63  }
0x111: {  	_ =	swait.ge [sflag:s31], $0x4000  }
0x112: {  	[sflag:s31] =	ssyncset.done $0x0  }
0x113: {  	s22 =	sadd.s32 $0x1000, s6;
	[sflag:s31] =	ssyncadd.s32 $0xFFFFC000  }
0x114: {  	[hbm4b:s22+s3] =	stream.linear.scatter [tilespmem:s23], [sflag:$0x9], $0x4000, $0x38;
	[tilespmem:$0x10800] =	vst v63  }
0x115: {  	_ =	swait.ge [sflag:s0], $0x4000  }
0x116: {  	[sflag:s0] =	ssyncset.done $0x0  }
0x117: {  	s22 =	rddreg [dreg:$0xa];
	[sflag:s0] =	ssyncadd.s32 $0xFFFFC000  }
0x118: {  	[tilespmem:s21], [sflag:$0x4] =	stream.indirect.gather [hbm4b:s4+s19], $0x80, s22, s19, $0xb8;
	[tilespmem:$0x10800] =	vst v63  }
0x119: {  	_ =	swait.ge [sflag:s7], $0x4000  }
0x11a: {  	[sflag:s7] =	ssyncset.done $0x0  }
0x11b: {  	s22 =	sadd.s32 $0x1800, s6;
	[sflag:s7] =	ssyncadd.s32 $0xFFFFC000  }
0x11c: {  	[hbm4b:s22+s3] =	stream.linear.scatter [tilespmem:s26], [sflag:$0xA], $0x4000, $0x38;
	[tilespmem:$0x10800] =	vst v63  }
0x11d: {  	_ =	swait.ge [sflag:s8], $0x4000  }
0x11e: {  	[sflag:s8] =	ssyncset.done $0x0  }
0x11f: {  	s22 =	rddreg [dreg:$0xb];
	[sflag:s8] =	ssyncadd.s32 $0xFFFFC000  }
0x120: {  	[tilespmem:s23], [sflag:$0x5] =	stream.indirect.gather [hbm4b:s4+s19], $0x80, s22, s19, $0xb8;
	[tilespmem:$0x10800] =	vst v63  }
0x121: {  	_ =	swait.ge [sflag:s24], $0x4000  }
0x122: {  	[sflag:s24] =	ssyncset.done $0x0  }
0x123: {  	s22 =	sadd.s32 $0x2000, s6;
	[sflag:s24] =	ssyncadd.s32 $0xFFFFC000  }
0x124: {  	[hbm4b:s22+s3] =	stream.linear.scatter [tilespmem:s20], [sflag:$0x7], $0x4000, $0x38;
	[tilespmem:$0x10800] =	vst v63  }
0x125: {  	_ =	swait.ge [sflag:s10], $0x4000  }
0x126: {  	[sflag:s10] =	ssyncset.done $0x0  }
0x127: {  	s22 =	rddreg [dreg:$0xc];
	[sflag:s10] =	ssyncadd.s32 $0xFFFFC000  }
0x128: {  	[tilespmem:s26], [sflag:$0x6] =	stream.indirect.gather [hbm4b:s4+s19], $0x80, s22, s19, $0xb8;
	[tilespmem:$0x10800] =	vst v63  }
0x129: {  	_ =	swait.ge [sflag:s28], $0x4000  }
0x12a: {  	[sflag:s28] =	ssyncset.done $0x0  }
0x12b: {  	s22 =	sadd.s32 $0x2800, s6;
	[sflag:s28] =	ssyncadd.s32 $0xFFFFC000  }
0x12c: {  	[hbm4b:s22+s3] =	stream.linear.scatter [tilespmem:s21], [sflag:$0x8], $0x4000, $0x38;
	[tilespmem:$0x10800] =	vst v63  }
0x12d: {  	_ =	swait.ge [sflag:s29], $0x4000  }
0x12e: {  	[sflag:s29] =	ssyncset.done $0x0  }
0x12f: {  	[sflag:s29] =	ssyncadd.s32 $0xFFFFC000  }
0x130: {  	_ =	swait.ge [sflag:s18], $0x400  }
0x131: {  	[sflag:s18] =	ssyncset.done $0x0  }
0x132: {  	[sflag:s18] =	ssyncadd.s32 $0xFFFFFC00  }
0x133: {  	[tilespmem:s20], [sflag:$0x3] =	stream.indirect.gather [hbm4b:s4+s19], $0x80, s3, s19, $0xb8;
	[tilespmem:$0x10800] =	vst v63  }
0x134: {  	_ =	swait.ge [sflag:s31], $0x4000  }
0x135: {  	[sflag:s31] =	ssyncset.done $0x0  }
0x136: {  	s22 =	sadd.s32 $0x3000, s6;
	[sflag:s31] =	ssyncadd.s32 $0xFFFFC000  }
0x137: {  	[hbm4b:s22+s3] =	stream.linear.scatter [tilespmem:s23], [sflag:$0x9], $0x4000, $0x38;
	[tilespmem:$0x10800] =	vst v63  }
0x138: {  	_ =	swait.ge [sflag:s0], $0x4000  }
0x139: {  	[sflag:s0] =	ssyncset.done $0x0  }
0x13a: {  	s15 =	sadd.s32 $0x2, s15;
	[sflag:s0] =	ssyncadd.s32 $0xFFFFC000  }
0x13b: {  	[tilespmem:s21], [sflag:$0x4] =	stream.indirect.gather [hbm4b:s4+s19], $0x80, s19, s19, $0xb8;
	[tilespmem:$0x10800] =	vst v63  }
0x13c: {  	s22 =	smin.u32 s15, $0x15;
	_ =	swait.ge [sflag:s7], $0x4000  }
0x13d: {  	s13 =	sshll.u32 s22, $0xA;
	[sflag:s7] =	ssyncset.done $0x0;
	s22 =	rddreg [dreg:$0x3]  }
0x13e: {  	s6 =	sadd.s32 $0x3800, s6;
	[sflag:s7] =	ssyncadd.s32 $0xFFFFC000;
	s22 =	sadd.s32 s13, s22  }
0x13f: {  	[hbm4b:s6+s3] =	stream.linear.scatter [tilespmem:s26], [sflag:$0xA], $0x4000, $0x38;
	[tilespmem:$0x10800] =	vst v63  }
0x140: {  	s6 =	sshrl.u32 s22, $0x3  }
0x141: {  	s6 =	sadd.s32 s2, s6  }
0x142: {  	[tilespmem:s17], [sflag:$0x2] =	stream.linear.gather [hbm4b:s6+s3], $0x400, $0x38;
	[tilespmem:$0x10800] =	vst v63  }
0x143: {  	_ =	swait.ge [sflag:s8], $0x4000  }
0x144: {  	[sflag:s8] =	ssyncset.done $0x0  }
0x145: {  	s13 =	simm.s32 $0x100;
	[sflag:s8] =	ssyncadd.s32 $0xFFFFC000  }
0x146: {  	[tilespmem:s23], [sflag:$0x5] =	stream.indirect.gather [hbm4b:s4+s19], $0x80, s13, s19, $0xb8;
	[tilespmem:$0x10800] =	vst v63  }
0x147: {  	_ =	swait.ge [sflag:s24], $0x4000  }
0x148: {  	[sflag:s24] =	ssyncset.done $0x0  }
0x149: {  	s22 =	sadd.s32 $0x8000, s5;
	[sflag:s24] =	ssyncadd.s32 $0xFFFFC000  }
0x14a: {  	[hbm4b:s22+s3] =	stream.linear.scatter [tilespmem:s20], [sflag:$0x7], $0x4000, $0x38;
	[tilespmem:$0x10800] =	vst v63  }
0x14b: {  	_ =	swait.ge [sflag:s10], $0x4000  }
0x14c: {  	[sflag:s10] =	ssyncset.done $0x0  }
0x14d: {  	[sflag:s10] =	ssyncadd.s32 $0xFFFFC000  }
0x14e: {  	[tilespmem:s26], [sflag:$0x6] =	stream.indirect.gather [hbm4b:s4+s19], $0x80, s25, s19, $0xb8;
	[tilespmem:$0x10800] =	vst v63  }
0x14f: {  	_ =	swait.ge [sflag:s28], $0x4000  }
0x150: {  	[sflag:s28] =	ssyncset.done $0x0  }
0x151: {  	s22 =	sadd.s32 $0x8800, s5;
	[sflag:s28] =	ssyncadd.s32 $0xFFFFC000  }
0x152: {  	[hbm4b:s22+s3] =	stream.linear.scatter [tilespmem:s21], [sflag:$0x8], $0x4000, $0x38;
	[tilespmem:$0x10800] =	vst v63  }
0x153: {  	_ =	swait.ge [sflag:s29], $0x4000  }
0x154: {  	[sflag:s29] =	ssyncset.done $0x0  }
0x155: {  	[sflag:s29] =	ssyncadd.s32 $0xFFFFC000  }
0x156: {  	[tilespmem:s20], [sflag:$0x3] =	stream.indirect.gather [hbm4b:s4+s19], $0x80, s30, s19, $0xb8;
	[tilespmem:$0x10800] =	vst v63  }
0x157: {  	_ =	swait.ge [sflag:s31], $0x4000  }
0x158: {  	[sflag:s31] =	ssyncset.done $0x0  }
0x159: {  	s22 =	sadd.s32 $0x9000, s5;
	[sflag:s31] =	ssyncadd.s32 $0xFFFFC000  }
0x15a: {  	[hbm4b:s22+s3] =	stream.linear.scatter [tilespmem:s23], [sflag:$0x9], $0x4000, $0x38;
	[tilespmem:$0x10800] =	vst v63  }
0x15b: {  	_ =	swait.ge [sflag:s0], $0x4000  }
0x15c: {  	[sflag:s0] =	ssyncset.done $0x0  }
0x15d: {  	[sflag:s0] =	ssyncadd.s32 $0xFFFFC000  }
0x15e: {  	[tilespmem:s21], [sflag:$0x4] =	stream.indirect.gather [hbm4b:s4+s19], $0x80, s1, s19, $0xb8;
	[tilespmem:$0x10800] =	vst v63  }
0x15f: {  	_ =	swait.ge [sflag:s7], $0x4000  }
0x160: {  	[sflag:s7] =	ssyncset.done $0x0  }
0x161: {  	s22 =	sadd.s32 $0x9800, s5;
	[sflag:s7] =	ssyncadd.s32 $0xFFFFC000  }
0x162: {  	[hbm4b:s22+s3] =	stream.linear.scatter [tilespmem:s26], [sflag:$0xA], $0x4000, $0x38;
	[tilespmem:$0x10800] =	vst v63  }
0x163: {  	_ =	swait.ge [sflag:s8], $0x4000  }
0x164: {  	[sflag:s8] =	ssyncset.done $0x0  }
0x165: {  	p0 =	sne.s32 s14, $0x58000;
	[sflag:s8] =	ssyncadd.s32 $0xFFFFC000  }
0x166: {  	[tilespmem:s23], [sflag:$0x5] =	stream.indirect.gather [hbm4b:s4+s19], $0x80, s9, s19, $0xb8;
	[tilespmem:$0x10800] =	vst v63  }
.Ltmp0:
0x167: {  	_ =	swait.ge [sflag:s24], $0x4000;
	(pc) =	sbr.rel @p0 .LBB2_2-.Ltmp0, $4  }
0x168: {  	[sflag:s24] =	ssyncset.done $0x0  }
0x169: {  	s22 =	sadd.s32 $0xA000, s5;
	[sflag:s24] =	ssyncadd.s32 $0xFFFFC000  }
0x16a: {  	[hbm4b:s22+s3] =	stream.linear.scatter [tilespmem:s20], [sflag:$0x7], $0x4000, $0x38;
	[tilespmem:$0x10800] =	vst v63  }
0x16b: {  	s14 =	sadd.s32 $0x8000, s14;
	_ =	swait.ge [sflag:s10], $0x4000  }
0x16c: {  	[sflag:s10] =	ssyncset.done $0x0  }
0x16d: {  	[sflag:s10] =	ssyncadd.s32 $0xFFFFC000  }
0x16e: {  	[tilespmem:s26], [sflag:$0x6] =	stream.indirect.gather [hbm4b:s4+s19], $0x80, s11, s19, $0xb8;
	[tilespmem:$0x10800] =	vst v63  }
0x16f: {  	_ =	swait.ge [sflag:s28], $0x4000  }
0x170: {  	[sflag:s28] =	ssyncset.done $0x0  }
0x171: {  	s5 =	sadd.s32 $0xA800, s5;
	[sflag:s28] =	ssyncadd.s32 $0xFFFFC000  }
0x172: {  	[hbm4b:s5+s3] =	stream.linear.scatter [tilespmem:s21], [sflag:$0x8], $0x4000, $0x38;
	[tilespmem:$0x10800] =	vst v63  }
0x173: {  	_ =	swait.ge [sflag:s31], $0x4000  }
0x174: {  	[sflag:s31] =	ssyncset.done $0x0  }
0x175: {  	s15 =	rddreg [dreg:$0x15];
	[sflag:s31] =	ssyncadd.s32 $0xFFFFC000  }
0x176: {  	[hbm4b:s15+s3] =	stream.linear.scatter [tilespmem:s23], [sflag:$0x9], $0x4000, $0x38;
	[tilespmem:$0x10800] =	vst v63  }
0x177: {  	_ =	swait.ge [sflag:s7], $0x4000  }
0x178: {  	[sflag:s7] =	ssyncset.done $0x0  }
0x179: {  	s16 =	rddreg [dreg:$0x16];
	[sflag:s7] =	ssyncadd.s32 $0xFFFFC000  }
0x17a: {  	[hbm4b:s16+s3] =	stream.linear.scatter [tilespmem:s26], [sflag:$0xA], $0x4000, $0x38;
	[tilespmem:$0x10800] =	vst v63  }
0x17b: {  	_ =	swait.ge [sflag:s29], $0x4000  }
0x17c: {  	[sflag:s29] =	ssyncset.done $0x0  }
0x17d: {  	[sflag:s29] =	ssyncadd.s32 $0xFFFFC000  }
0x17e: {  	_ =	swait.ge [sflag:s0], $0x4000  }
0x17f: {  	[sflag:s0] =	ssyncset.done $0x0  }
0x180: {  	[sflag:s0] =	ssyncadd.s32 $0xFFFFC000  }
0x181: {  	_ =	swait.ge [sflag:s8], $0x4000  }
0x182: {  	[sflag:s8] =	ssyncset.done $0x0  }
0x183: {  	[sflag:s8] =	ssyncadd.s32 $0xFFFFC000  }
0x184: {  	_ =	swait.ge [sflag:s10], $0x4000  }
0x185: {  	[sflag:s10] =	ssyncset.done $0x0  }
0x186: {  	[sflag:s10] =	ssyncadd.s32 $0xFFFFC000  }
0x187: {  	_ =	swait.ge [sflag:s12], $0x400  }
0x188: {  	s6 =	rddreg [dreg:$0x19]  }
0x189: {  	s22 =	rddreg [dreg:$0x17];
	s6 =	sadd.s32 $0x1, s6  }
0x18a: {  	p0 =	sne.s32 s6, s22  }
.Ltmp1:
0x18b: {  	_ = 	snop;
	(pc) =	sbr.rel @p0 .LBB2_1-.Ltmp1, $3  }
0x18c: {  	_ =	sdelay $0x1  }
0x18d: {  	[sflag:s12] =	ssyncset.done $0x0  }
0x18e: {  	[sflag:s12] =	ssyncadd.s32 $0xFFFFFC00  }
0x18f: {  	_ =	sfence.sel $0x180000  }
0x190: {  	[bflag:$0x0] =	sbarrier.arrive $0xFFFF  }
0x191: {  	_ =	strace $0x90000047  }
0x192: {  	s0 =	stileid.u32;
	[bflag:$0x2] =	sbarrier.arrive $0xFFFF  }
0x193: {  	p0 =	sne.s32 s0, $0x0;
	s0 =	rddreg [dreg:$0x2]  }
0x194: {  	s0 =	sadd.s32 @!p0 $0x100000, s0  }
0x195: {  	[sflag:s0] =	ssyncadd.tile.s32 @!p0 $0x1;
	_ =	shalt  }
.Lfunc_end2:
_tile_overlayer_lowered:
.L_overlay_start_2:
0x196: {  	(tag) =	ssettag $0x2  }
0x197: {  	s0 =	rddreg [dreg:$0x0];
	s2 =	stileid.u32  }
0x198: {  	s1 =	rddreg [dreg:$0x1];
	p0 =	sne.s32 s2, $0x0  }
0x199: {  	s3 =	rddreg [dreg:$0x2];
	[bflag:$0x3] =	sbarrier.arrive $0xFFFF;
	s2 =	simm.s32 @!p0 $0x1C0B  }
0x19a: {  	[timem:s3], [sflag:s2] =	dma.local @!p0 [hbm:s0], s1  }
0x19b: {  	s0 =	simm.s32 @!p0 $0xB  }
0x19c: {  	_ =	swait.ge @!p0 [sflag:s0], s1  }
0x19d: {  	s1 =	ssub.s32 @!p0 $0x0, s1;
	[sflag:s0] =	ssyncset.done @!p0 $0x0  }
0x19e: {  	[sflag:s0] =	ssyncadd.s32 @!p0 s1  }
0x19f: {  	[bflag:$0x3] =	sbarrier.arrive $0xFFFF  }
0x1a0: {  	_ =	shalt  }

// kernel: sparse-core-data-format-call.cloned.1.call-start
scs
called_computation_lowered:
.L_overlay_start_0:
0x0: {  	s2 =	sld [smem:$0x3FD9]  }
0x1: {  	s3 =	sld [smem:$0x3FFE];
	_ =	sdelay $0x1  }
0x2: {  	s1 =	srdreg.scid  }
0x3: {  	s0 =	sand.u32 $0x1, s1  }
0x4: {  	s18 =	sshll.u32 s0, $0xA;
	s2 =	sadd.s32 s3, s2  }
0x5: {  	s2 =	sadd.s32 s2, s18  }
0x6: {  	[smem:$0x3FC6] =	sst s2  }
0x7: {  	_ = 	snop  }
0x8: {  	s2 =	sld [smem:$0x3FD0];
	(tm) =	ssettm $0x1  }
0x9: {  	s19 =	sld [smem:$0x3FFB];
	_ =	sdelay $0x3  }
0xa: {  	_ =	strace s19  }
0xb: {  	s3 =	sld [smem:$0x3FFC];
	_ =	sdelay $0x3  }
0xc: {  	_ =	strace s3  }
0xd: {  	s3 =	sld [smem:$0x3FFD];
	_ =	sdelay $0x3  }
0xe: {  	_ =	strace s3  }
0xf: {  	_ =	strace $0x8FFFFFFF  }
0x10: {  	s20 =	sld [smem:$0x3FDB];
	_ =	sdelay $0x1  }
0x11: {  	s4 =	simm.s32 $_scs_section_size  }
0x12: {  	s5 =	simm.s32 $_size__tile_overlayer_lowered;
	s6 =	simm.s32 $_tile_overlayer_lowered  }
0x13: {  	s23 =	simm.s32 $0x1BFF;
	s22 =	sshll.u32 s6, $0x1;
	s3 =	sadd.s32 s4, s20  }
0x14: {  	s7 =	simm.s32 $0x0;
	s21 =	sshll.u32 s5, $0x1;
	s5 =	sadd.s32 s22, s3  }
0x15: {  	[timem:s7], [sflag:s23] =	dma.local [hbm:s5], s21  }
0x16: {  	_ =	swait.ge [sflag:s23], s21  }
0x17: {  	s4 =	ssub.s32 $0x0, s21;
	[sflag:s23] =	ssyncset.done $0x0  }
0x18: {  	[sflag:s23] =	ssyncadd.s32 s4;
	_ =	sdelay $0x1  }
0x19: {  	s24 =	simm.s32 $0x1B8B  }
0x1a: {  	_ =	swait.ge [sflag:s24], $0x1  }
0x1b: {  	[sflag:s24] =	ssyncset.done $0x0  }
0x1c: {  	s26 =	simm.s32 $0x1B8E;
	s25 =	sld [smem:$0x3FFE];
	[sflag:s24] =	ssyncadd.s32 $0xFFFFFFFF  }
0x1d: {  	s27 =	simm.s32 $execute0_lowered;
	[smem:$0x3FD2] =	sst s26  }
0x1e: {  	s5 =	sshll.u32 s27, $0x1;
	_ =	strace $0x80000049;
	[dreg:$0x1] =	wrdreg $0xFFFFFFFF  }
0x1f: {  	s28 =	simm.s32 $_size_execute0_lowered;
	s3 =	sadd.s32 s3, s5;
	[dreg:$0x0] =	wrdreg $0x0  }
0x20: {  	s5 =	sshll.u32 s28, $0x1;
	[dreg:$0x2] =	wrdreg s3  }
0x21: {  	[dreg:$0x3] =	wrdreg s5  }
0x22: {  	[dreg:$0x4] =	wrdreg $0xC0  }
0x23: {  	_ =	task [dreg:s7], $0x5FFFF  }
0x24: {  	[dreg:$0x1] =	wrdreg $0xFFFFFFFF  }
0x25: {  	[dreg:$0x0] =	wrdreg $0x60  }
0x26: {  	[dreg:$0x2] =	wrdreg s25  }
0x27: {  	[dreg:$0x3] =	wrdreg s2  }
0x28: {  	[dreg:$0x4] =	wrdreg $0x9  }
0x29: {  	_ =	task.clear_ibuf [dreg:s7], $0x5FFFF;
	_ =	strace $0x90000049  }
0x2a: {  	s29 =	simm.s32 $0x9;
	_ =	strace $0x8000004B  }
0x2b: {  	_ =	swait.ge [sflag:s29], $0x1  }
0x2c: {  	[sflag:s29] =	ssyncadd.s32 $0xFFFFFFFF  }
0x2d: {  	_ =	strace $0x9000004B  }
0x2e: {  	_ =	sfence  }
0x2f: {  	s30 =	sld [smem:$0x0];
	_ =	sdelay $0x2  }
0x30: {  	s31 =	sshll.u32 s1, $0xD;
	s1 =	sshrl.u32 s1, $0x2  }
0x31: {  	s3 =	sand.u32 $0x4000, s31;
	s1 =	sadd.s32 s1, s30  }
0x32: {  	s0 =	sor.u32 s3, s0;
	s1 =	sshll.u32 s1, $0x11  }
0x33: {  	s0 =	sor.u32 s1, s0  }
0x34: {  	s0 =	sadd.s32 $0x8F2B, s0  }
0x35: {  	[sflag:s0] =	ssyncadd.remote.s32 $0x1  }
0x36: {  	_ =	sfence.sel $0xFFFF  }
0x37: {  	[dreg:$0x0] =	wrdreg $0xFFFFFFFF;
	(pc) =	sbr.abs _section_cstart, $3  }
0x38: {  	[dreg:$0x1] =	wrdreg $0xFFFFFFFF  }
0x39: {  	_ =	task.clear_ibuf [dreg:s7], $0x2FFFF;
	_ =	strace $0x9FFFFFFF  }
0x3a: {  	(tm) =	ssettm $0x7FFFFFFF  }
0x3b: {  	_ =	shalt  }
tec
execute0_lowered:
.L_overlay_start_1:
0x0: {  	(tag) =	ssettag $0x1  }
0x1: {  	s0 =	srdreg.scid  }
0x2: {  	s1 =	sshll.u32 s0, $0x4  }
0x3: {  	s0 =	stileid.u32;
	s1 =	sand.u32 $0x10, s1  }
0x4: {  	s1 =	sor.u32 s0, s1  }
0x5: {  	s6 =	rddreg [dreg:$0x0];
	s4 =	simm.s32 $0x1;
	s2 =	sshll.u32 s1, $0x7  }
0x6: {  	s7 =	simm.s32 $0x2;
	s12 =	simm.s32 $0x0;
	s1 =	ssub.s32 $0x1000, s2  }
0x7: {  	s8 =	simm.s32 $0x8000;
	s13 =	simm.s32 $0x0;
	s3 =	sand.u32 $0xF80, s1  }
0x8: {  	s9 =	simm.s32 $0x0;
	s5 =	sshrl.u32 s1, $0xC;
	p0 =	sne.s32 s3, $0x0  }
.Ltmp0:
0x9: {  	s1 =	rddreg [dreg:$0x2];
	s4 =	simm.s32 @!p0 $0x0;
	(pc) =	sbr.rel .LBB1_1-.Ltmp0, $4  }
0xa: {  	s11 =	simm.s32 $0x0;
	s3 =	rddreg [dreg:$0x1];
	s5 =	sadd.s32 s4, s5  }
0xb: {  	_ =	strace $0x8000004A;
	s4 =	simm.s32 $0x1;
	s5 =	smul.u32 $0xC8, s5  }
0xc: {  	s6 =	sadd.s32 $0xA00, s6;
	s10 =	smov.u32 s2;
	[sflag:s4] =	ssyncpa.u1 $0x0  }
0xd: {  	p0 =	por $0x0, $0x0;
	[sflag:s7] =	ssyncpa.u1 $0x0;
	s7 =	sor.u32 $0x1, s5  }
.LBB1_4:
0xe: {  	s16 =	sshll.u32 s13, $0x3;
	s17 =	sand.u32 $0x78, s13  }
0xf: {  	s30 =	sand.u32 $0x7E00, s13;
	s12 =	sshll.u32 s12, $0xF;
	s16 =	sand.u32 $0xC00, s16  }
0x10: {  	[tilespmem:s15+$0x810 ss:$0x81] =	vst.msk $0xffff, v2;
	s31 =	sand.u32 $0x7, s13;
	s16 =	sor.u32 s17, s16;
	s17 =	sadd.s32 s3, s30  }
0x11: {  	[tilespmem:s15+$0x1020 ss:$0x81] =	vst.msk $0xffff, v0;
	s13 =	sshll.u32 s31, $0x12;
	s12 =	sadd.s32 s12, s17;
	s16 =	sshrl.u32 s16, $0x3  }
0x12: {  	[tilespmem:s15+$0x0 ss:$0x81] =	vst.msk $0xffff, v1;
	s13 =	sor.u32 $0x400, s13;
	s12 =	sadd.s32 s16, s12  }
0x13: {  	[hbm4b:s12+s13] =	stream.strided.scatter [tilespmem:s14], [sflag:$0x2], $0x2000, s8, s13, $0x20;
	[tilespmem:$0x8080] =	vst v63  }
.LBB1_5:
0x14: {  	s14 =	sadd.s32 $0x1, s9  }
0x15: {  	s12 =	sadd.s32 $0x1000, s10;
	s16 =	smov.u32 s10;
	p2 =	sgt.s32 s14, $0xC7  }
0x16: {  	s16 =	smov.u32 @p2 s12  }
0x17: {  	s14 =	simm.s32 @p2 $0x0;
	p2 =	sgt.s32 s16, $0xFFF  }
0x18: {  	s16 =	smov.u32 @p2 s2;
	p2 =	sne.s32 s11, s7  }
.Ltmp1:
0x19: {  	p1 =	slt.u32 s11, $0x2;
	(pc) =	sbr.rel @!p2 .LBB1_6-.Ltmp1, $4  }
0x1a: {  	s15 =	simm.s32 @!p1 $0x2  }
0x1b: {  	s13 =	smov.u32 s10;
	p0 =	por !p0, !p0;
	_ =	swait.ge @!p1 [sflag:s15], $0x2000  }
0x1c: {  	s12 =	smov.u32 s9;
	[sflag:s15] =	ssyncset.done @!p1 $0x0;
	s9 =	smov.u32 s14  }
0x1d: {  	s11 =	sadd.s32 $0x1, s11;
	[sflag:s15] =	ssyncadd.s32 @!p1 $0xFFFFE000;
	s10 =	smov.u32 s16  }
.LBB1_1:
0x1e: {  	p1 =	sge.u32 s11, s5  }
0x1f: {  	s14 =	sand.u32 @!p1 $0x1FFFFFF, s9  }
0x20: {  	s15 =	smulhi.u32 @!p1 $0x147AE15, s14;
	_ =	sdelay $0x1  }
0x21: {  	s15 =	smul.u32 @!p1 $0xC8, s15  }
0x22: {  	s16 =	sxor.u32 @!p1 $0xFFFFFFFF, s11;
	s17 =	smul.u32 @!p1 $0xC80, s10  }
0x23: {  	s31 =	sadd.s32 $0xFFFFFFFF, s11;
	s16 =	sshll.u32 @!p1 s16, $0xD;
	s14 =	ssub.s32 @!p1 s14, s15  }
0x24: {  	s15 =	sand.u32 @!p1 $0x2000, s16;
	s16 =	sadd.s32 @!p1 s6, s17;
	s14 =	sshll.u32 @!p1 s14, $0x4  }
0x25: {  	s17 =	simm.s32 @!p1 $0x6400;
	s14 =	sadd.s32 @!p1 s14, s16;
	s16 =	simm.s32 @!p1 $0x40  }
0x26: {  	[tilespmem:s15], [sflag:$0x1] =	stream.strided.gather @!p1 [hbm4b:s14+s16], $0x2000, s17, s16, $0x38;
	[tilespmem:$0x8080] =	vst v63  }
0x27: {  	p1 =	sge.u32 s31, s5  }
.Ltmp2:
0x28: {  	_ = 	snop;
	(pc) =	sbr.rel @p1 .LBB1_5-.Ltmp2, $1  }
0x29: {  	_ =	sdelay $0x3  }
0x2a: {  	s14 =	simm.s32 $0x1  }
0x2b: {  	_ =	swait.ge [sflag:s4], $0x2000;
	s14 =	simm.s32 @!p0 $0x0  }
0x2c: {  	[sflag:s4] =	ssyncset.done $0x0;
	s15 =	sshll.u32 s14, $0xD  }
0x2d: {  	[sflag:s4] =	ssyncadd.s32 $0xFFFFE000;
	s18 =	sor.u32 $0x20, s15  }
0x2e: {  	s14 =	smul.u32 $0x8100, s14;
	v3 =	vld [tilespmem:s18+$0x10]  }
0x2f: {  	s30 =	sand.u32 $0x1, s11;
	v2 =	vld [tilespmem:s18+$0xFFFFFFF0]  }
0x30: {  	s15 =	smul.u32 $0x8100, s30;
	s14 =	sshrl.u32 s14, $0x2;
	v0 =	vld [tilespmem:s18+$0x0]  }
0x31: {  	v1 =	vld [tilespmem:s18+$0xFFFFFFE0];
	s16 =	sor.u32 $0x4000, s14  }
0x32: {  	s31 =	sshrl.u32 s15, $0x2;
	s15 =	sadd.s32 $0x0, s16  }
0x33: {  	s17 =	simm.s32 $0x4;
	s18 =	sadd.s32 $0x40, s18;
	s14 =	sor.u32 $0x4000, s31;
	[tilespmem:s15+$0x1830 ss:$0x81] =	vst.msk $0xffff, v3  }
.LBB1_3:
0x34: {  	v3 =	vld [tilespmem:s18+$0x10];
	p1 =	sne.s32 s17, $0x1FC;
	[tilespmem:s15+$0x810 ss:$0x81] =	vst.msk $0xffff, v2;
	s19 =	smov.u32 s17;
	s17 =	sadd.s32 $0x4, s17  }
.Ltmp3:
0x35: {  	v2 =	vld [tilespmem:s18+$0xFFFFFFF0];
	[tilespmem:s15+$0x1020 ss:$0x81] =	vst.msk $0xffff, v0;
	(pc) =	sbr.rel @p1 .LBB1_3-.Ltmp3, $4  }
0x36: {  	v0 =	vld [tilespmem:s18+$0x0];
	[tilespmem:s15+$0x0 ss:$0x81] =	vst.msk $0xffff, v1  }
0x37: {  	s15 =	sshra.s32 s19, $0x2;
	v1 =	vld [tilespmem:s18+$0xFFFFFFE0]  }
0x38: {  	s15 =	sadd.s32 s15, s16  }
0x39: {  	s18 =	sadd.s32 $0x40, s18;
	[tilespmem:s15+$0x1830 ss:$0x81] =	vst.msk $0xffff, v3  }
.Ltmp4:
0x3a: {  	_ = 	snop;
	(pc) =	sbr.rel .LBB1_4-.Ltmp4, $1  }
0x3b: {  	_ =	sdelay $0x3  }
.LBB1_6:
0x3c: {  	_ =	sfence.sel $0x180000  }
0x3d: {  	s2 =	simm.s32 $0x1;
	[bflag:$0x0] =	sbarrier.arrive $0xFFFF  }
0x3e: {  	s31 =	simm.s32 $0x2;
	[sflag:s2] =	ssyncpa.u1 $0x1  }
0x3f: {  	[sflag:s31] =	ssyncpa.u1 $0x1  }
0x40: {  	p0 =	sne.s32 s0, $0x0;
	_ =	strace $0x9000004A  }
0x41: {  	s0 =	sadd.s32 @!p0 $0x100000, s1;
	[bflag:$0x2] =	sbarrier.arrive $0xFFFF  }
0x42: {  	[sflag:s0] =	ssyncadd.tile.s32 @!p0 $0x1;
	_ =	shalt  }
.Lfunc_end1:
_tile_overlayer_lowered:
.L_overlay_start_2:
0x43: {  	(tag) =	ssettag $0x2  }
0x44: {  	s0 =	rddreg [dreg:$0x0];
	s2 =	stileid.u32  }
0x45: {  	s1 =	rddreg [dreg:$0x1];
	p0 =	sne.s32 s2, $0x0  }
0x46: {  	s3 =	rddreg [dreg:$0x2];
	[bflag:$0x3] =	sbarrier.arrive $0xFFFF;
	s2 =	simm.s32 @!p0 $0x1C01  }
0x47: {  	[timem:s3], [sflag:s2] =	dma.local @!p0 [hbm:s0], s1  }
0x48: {  	s0 =	simm.s32 @!p0 $0x1  }
0x49: {  	_ =	swait.ge @!p0 [sflag:s0], s1  }
0x4a: {  	s1 =	ssub.s32 @!p0 $0x0, s1;
	[sflag:s0] =	ssyncset.done @!p0 $0x0  }
0x4b: {  	[sflag:s0] =	ssyncadd.s32 @!p0 s1  }
0x4c: {  	[bflag:$0x3] =	sbarrier.arrive $0xFFFF  }
0x4d: {  	_ =	shalt  }

</sc_bundles>
